<compile_context>
chip_gen: v7x
topology: tpu7x:2x2x1
jax: 0.10.2.dev20260603
libtpu: 0.0.44.dev20260713+nightly
codegen_flags: <defaults>
</compile_context>

<pallas_src>
import jax
import jax.numpy as jnp
from jax import lax
from jax.experimental import pallas as pl
from jax.experimental.pallas import tpu as pltpu
from jax.experimental.pallas import tpu_sc as plsc

import functools

NC_SC = 2
NSUB = 16
NW = NC_SC * NSUB

K = 1024
D = 64
T = 256
B = 4
NS = 6
NEG = float("-inf")
KK = K * K


def _encode_body(mix_ref, cb_ref, codes_ref):
    m = mix_ref[...]
    c = cb_ref[...]
    prod = lax.dot_general(m, c, (((1,), (1,)), ((), ())),
                           preferred_element_type=jnp.float32)
    d = (jnp.sum(m * m, axis=1, keepdims=True) - 2.0 * prod
         + jnp.sum(c * c, axis=1)[None, :])
    dmin = jnp.min(d, axis=1, keepdims=True)
    iota = lax.broadcasted_iota(jnp.int32, d.shape, 1)
    idx = jnp.min(jnp.where(d == dmin, iota, K), axis=1, keepdims=True)
    codes_ref[...] = idx


MONO = -2**31


def _float_keys(s):
    u = lax.bitcast_convert_type(s, jnp.int32)
    m = u ^ (lax.shift_right_arithmetic(u, 31) | MONO)
    iota = lax.broadcasted_iota(jnp.int32, s.shape, 1)
    ka = (m & ~1023) | (1023 - iota)
    bits = ka ^ (~lax.shift_right_arithmetic(ka, 31) | MONO)
    return lax.bitcast_convert_type(bits, jnp.float32)


def _key_to_idx(mx):
    u = lax.bitcast_convert_type(mx, jnp.int32)
    m = u ^ (lax.shift_right_arithmetic(u, 31) | MONO)
    return 1023 - (m & 1023)


def _screen(P, L):
    keys = _float_keys(P + L)
    jis, sels = [], []
    for _ in range(NS):
        mx = jnp.max(keys, axis=1, keepdims=True)
        sel = keys == mx
        jis.append(_key_to_idx(mx))
        sels.append(sel)
        keys = jnp.where(sel, NEG, keys)
    pvs, lvs = [], []
    for sel in sels:
        pvs.append(jnp.sum(jnp.where(sel, P, 0.0), axis=1, keepdims=True))
        lvs.append(jnp.sum(jnp.where(sel, L, 0.0), axis=1, keepdims=True))
    return (jnp.concatenate(jis, 1), jnp.concatenate(pvs, 1),
            jnp.concatenate(lvs, 1))


def _merge4(vj, fidx):
    outv, outf = [], []
    for _ in range(4):
        mx = jnp.max(vj, keepdims=True)
        f = jnp.min(jnp.where(vj == mx, fidx, float(2**23)), keepdims=True)
        vj = jnp.where(fidx == f, NEG, vj)
        outv.append(mx)
        outf.append(f)
    return jnp.concatenate(outv, 0), outf


def _combos(p1v, p2v, l1v, l2v, ai, ci, scv):
    vs, eis = [], []
    for r in range(NS):
        p1c = p1v[:, r:r + 1]
        l1c = l1v[:, r:r + 1]
        if scv is None:
            v = ((p1c + p2v) + l1c) + l2v
        else:
            v = (((scv + p1c) + p2v) + l1c) + l2v
        vs.append(v)
        eis.append(ai[:, r:r + 1] * K + ci)
    return jnp.concatenate(vs, 1), jnp.concatenate(eis, 1)


def _bs_body(codes_ref, p1_ref, p2_ref, l1_ref, l2_ref, seq_ref,
             rp_ref, rl_ref, h1_ref, h2_ref, bp_ref, z10_ref, z20_ref):
    m0 = codes_ref[0, 0]

    Pi = jnp.concatenate([p1_ref[pl.ds(0, 1), :], p2_ref[pl.ds(0, 1), :]], 0)
    Li = jnp.concatenate([l1_ref[pl.ds(m0, 1), :], l2_ref[pl.ds(m0, 1), :]], 0)
    ji, pv, lv = _screen(Pi, Li)
    v, ei = _combos(pv[0:1], pv[1:2], lv[0:1], lv[1:2],
                    ji[0:1], ji[1:2], None)
    scv0, f_l = _merge4(v, ei.astype(jnp.float32))
    zs = []
    for k in range(4):
        fk = f_l[k][0, 0].astype(jnp.int32)
        z1k = lax.shift_right_logical(fk, 10)
        z2k = jnp.bitwise_and(fk, K - 1)
        z10_ref[k] = z1k
        z20_ref[k] = z2k
        zs += [z1k, z2k]
    carry = tuple(zs) + (scv0,)

    def step(t, carry):
        (z10, z20, z11, z21, z12, z22, z13, z23, scv) = carry
        m_t = codes_ref[t, 0]
        rp_ref[pl.ds(0, 1), :] = p1_ref[pl.ds(z10, 1), :]
        rp_ref[pl.ds(1, 1), :] = p1_ref[pl.ds(z11, 1), :]
        rp_ref[pl.ds(2, 1), :] = p1_ref[pl.ds(z12, 1), :]
        rp_ref[pl.ds(3, 1), :] = p1_ref[pl.ds(z13, 1), :]
        rp_ref[pl.ds(4, 1), :] = p2_ref[pl.ds(z20, 1), :]
        rp_ref[pl.ds(5, 1), :] = p2_ref[pl.ds(z21, 1), :]
        rp_ref[pl.ds(6, 1), :] = p2_ref[pl.ds(z22, 1), :]
        rp_ref[pl.ds(7, 1), :] = p2_ref[pl.ds(z23, 1), :]
        l1r = l1_ref[pl.ds(m_t, 1), :]
        l2r = l2_ref[pl.ds(m_t, 1), :]
        rl_ref[pl.ds(0, 1), :] = l1r
        rl_ref[pl.ds(1, 1), :] = l1r
        rl_ref[pl.ds(2, 1), :] = l1r
        rl_ref[pl.ds(3, 1), :] = l1r
        rl_ref[pl.ds(4, 1), :] = l2r
        rl_ref[pl.ds(5, 1), :] = l2r
        rl_ref[pl.ds(6, 1), :] = l2r
        rl_ref[pl.ds(7, 1), :] = l2r
        P = rp_ref[...]
        L = rl_ref[...]
        ji, pv, lv = _screen(P, L)
        v, ei = _combos(pv[0:B], pv[B:2 * B], lv[0:B], lv[B:2 * B],
                        ji[0:B], ji[B:2 * B], scv)
        bio2 = lax.broadcasted_iota(jnp.int32, (B, NS * NS), 0)
        fi = bio2 * KK + ei
        scv_n, f_l = _merge4(v, fi.astype(jnp.float32))
        nzs = []
        for k in range(4):
            fk = f_l[k][0, 0].astype(jnp.int32)
            bk = lax.shift_right_logical(fk, 20)
            nz1 = jnp.bitwise_and(lax.shift_right_logical(fk, 10), K - 1)
            nz2 = jnp.bitwise_and(fk, K - 1)
            h1_ref[t - 1, k] = nz1
            h2_ref[t - 1, k] = nz2
            bp_ref[t - 1, k] = bk
            nzs += [nz1, nz2]
        return tuple(nzs) + (scv_n,)

    lax.fori_loop(1, T, step, tuple(carry))

    def back(j, b):
        i = T - 2 - j
        seq_ref[0, i + 1] = h1_ref[i, b]
        seq_ref[1, i + 1] = h2_ref[i, b]
        return bp_ref[i, b]

    b0 = lax.fori_loop(0, T - 1, back, jnp.int32(0))
    seq_ref[0, 0] = z10_ref[b0]
    seq_ref[1, 0] = z20_ref[b0]


def _decode_sc(seq_flat, codebook_pad):
    bpw = (2 * T) // NW

    @functools.partial(
        pl.kernel,
        out_type=jax.ShapeDtypeStruct((2 * T, 2 * D), jnp.float32),
        mesh=plsc.VectorSubcoreMesh(core_axis_name="c", subcore_axis_name="s"),
        scratch_types=[
            pltpu.VMEM((bpw,), jnp.int32),
            pltpu.VMEM((bpw, 2 * D), jnp.float32),
            pltpu.SemaphoreType.DMA,
        ],
    )
    def dec(seq_hbm, cb_hbm, out_hbm, idx_v, rows_v, sem):
        wid = lax.axis_index("s") * NC_SC + lax.axis_index("c")
        base = wid * bpw
        pltpu.sync_copy(seq_hbm.at[pl.ds(base, bpw)], idx_v)
        pltpu.async_copy(cb_hbm.at[idx_v], rows_v, sem).wait()
        pltpu.sync_copy(rows_v, out_hbm.at[pl.ds(base, bpw)])

    return dec(seq_flat, codebook_pad)


@jax.jit
def kernel(mixture, codebook, prior1, prior2, L1, L2):
    codes = pl.pallas_call(
        _encode_body,
        out_shape=jax.ShapeDtypeStruct((T, 1), jnp.int32),
    )(mixture, codebook)

    seq = pl.pallas_call(
        _bs_body,
        in_specs=[
            pl.BlockSpec(memory_space=pltpu.SMEM),
            pl.BlockSpec(memory_space=pltpu.VMEM),
            pl.BlockSpec(memory_space=pltpu.VMEM),
            pl.BlockSpec(memory_space=pltpu.VMEM),
            pl.BlockSpec(memory_space=pltpu.VMEM),
        ],
        out_shape=jax.ShapeDtypeStruct((2, T), jnp.int32),
        out_specs=pl.BlockSpec(memory_space=pltpu.SMEM),
        scratch_shapes=[
            pltpu.VMEM((2 * B, K), jnp.float32),
            pltpu.VMEM((2 * B, K), jnp.float32),
            pltpu.SMEM((T - 1, B), jnp.int32),
            pltpu.SMEM((T - 1, B), jnp.int32),
            pltpu.SMEM((T - 1, B), jnp.int32),
            pltpu.SMEM((B,), jnp.int32),
            pltpu.SMEM((B,), jnp.int32),
        ],
    )(codes, prior1, prior2, L1, L2)
    cb_pad = jnp.pad(codebook, ((0, 0), (0, D)))
    dec = _decode_sc(seq.reshape(2 * T), cb_pad)
    return dec[:, :D].reshape(2, T, D)

# --- scband reference (transcript-rebuilt; emitter-appended) ---
"""Pipeline reference for scband-beamsearch-separator-1065151889562 (READ-ONLY COPY).

The authoritative reference and input builder live on the scoring server;
editing this copy changes nothing except your own understanding.
"""

import jax, jax.numpy as jnp
import numpy as np
from jax import lax

K = 1024   # codebook / vocab size
D = 64     # code dim
T = 256    # mixture frames
B = 4      # num_beams


def setup_inputs(seed: int = 0) -> dict:
    key = jax.random.key(seed)
    ks = jax.random.split(key, 6)
    mixture = jax.random.normal(ks[0], (T, D), dtype=jnp.float32)
    codebook = jax.random.normal(ks[1], (K, D), dtype=jnp.float32)
    prior1 = jax.nn.log_softmax(jax.random.normal(ks[2], (K, K), dtype=jnp.float32), axis=-1)
    prior2 = jax.nn.log_softmax(jax.random.normal(ks[3], (K, K), dtype=jnp.float32), axis=-1)
    L1 = jax.nn.log_softmax(jax.random.normal(ks[4], (K, K), dtype=jnp.float32), axis=-1)
    L2 = jax.nn.log_softmax(jax.random.normal(ks[5], (K, K), dtype=jnp.float32), axis=-1)
    return {"mixture": mixture, "codebook": codebook, "prior1": prior1,
            "prior2": prior2, "L1": L1, "L2": L2}


def _encode(mixture, codebook):
    # encode_fn: nearest-codebook quantization of mixture frames -> discrete codes
    d = (jnp.sum(mixture ** 2, axis=1, keepdims=True)
         - 2.0 * mixture @ codebook.T
         + jnp.sum(codebook ** 2, axis=1)[None, :])
    return jnp.argmin(d, axis=1)


def _beam_search(codes, prior1, prior2, L1, L2):
    # fast_beamsearch_separation: joint beam search over (z1, z2) token pairs
    m0 = codes[0]
    init = (prior1[0][:, None] + prior2[0][None, :]
            + L1[m0][:, None] + L2[m0][None, :])           # [K, K]
    sc0, idx0 = lax.top_k(init.reshape(-1), B)
    z1_0 = idx0 // K
    z2_0 = idx0 % K

    def step(carry, m_t):
        z1, z2, sc = carry
        cand = (sc[:, None, None]
                + prior1[z1][:, :, None]
                + prior2[z2][:, None, :]
                + L1[m_t][None, :, None]
                + L2[m_t][None, None, :])                  # [B, K, K]
        ts, ti = lax.top_k(cand.reshape(-1), B)
        beam = ti // (K * K)
        rem = ti % (K * K)
        nz1 = rem // K
        nz2 = rem % K
        return (nz1, nz2, ts), (nz1, nz2, beam)

    (z1f, z2f, scf), (h1, h2, bp) = lax.scan(step, (z1_0, z2_0, sc0), codes[1:])

    # backtrack best beam (top_k is sorted desc -> beam 0 is best)
    def back(b, xs):
        t1, t2, bpt = xs
        return bpt[b], (t1[b], t2[b])

    b0, (s1, s2) = lax.scan(back, jnp.asarray(0, dtype=bp.dtype), (h1, h2, bp), reverse=True)
    seq1 = jnp.concatenate([z1_0[b0][None], s1])
    seq2 = jnp.concatenate([z2_0[b0][None], s2])
    return seq1, seq2


def reference(mixture, codebook, prior1, prior2, L1, L2):
    codes = _encode(mixture, codebook)                    # encode_fn
    s1, s2 = _beam_search(codes, prior1, prior2, L1, L2)  # diba.fast_beamsearch_separation
    dec1 = codebook[s1]                                   # decode_fn for source 1
    dec2 = codebook[s2]                                   # decode_fn for source 2
    return jnp.stack([dec1, dec2], axis=0)                # [2, T, D]

if __name__ == "__main__":
    import jax
    _d = setup_inputs()
    print(jax.jit(kernel)(*tuple(_d.values())))

</pallas_src>

<mosaic_0001>
#map = affine_map<(d0, d1) -> (0)>
#map1 = affine_map<(d0, d1) -> (0, 0)>
module attributes {stable_mosaic.version = 14 : i64} {
  func.func @dec(%arg0: i32, %arg1: i32, %arg2: memref<512xi32, #tpu.memory_space<hbm>>, %arg3: memref<1024x128xf32, #tpu.memory_space<hbm>>, %arg4: memref<512x128xf32, #tpu.memory_space<hbm>>, %arg5: memref<16xi32, #tpu.memory_space<vmem>>, %arg6: memref<16x128xf32, #tpu.memory_space<vmem>>, %arg7: memref<!tpu.dma_semaphore, #tpu.memory_space<semaphore_mem>>) attributes {dimension_semantics = [#tpu.dimension_semantics<core_parallel>, #tpu.dimension_semantics<subcore_parallel>], iteration_bounds = array<i64: 2, 16>, scalar_prefetch = 0 : i64, scratch_operands = 3 : i64, tpu.core_type = #tpu.core_type<sc_vector_subcore>, window_params = [{transform_indices = #map}, {transform_indices = #map1}, {transform_indices = #map1}]} {
    %mul3A = arith.constant 2 : i32
    %mul3A_0 = arith.muli %arg1, %mul3A : i32
    %add3A = arith.addi %mul3A_0, %arg0 : i32
    %mul3A_1 = arith.constant 16 : i32
    %mul3A_2 = arith.muli %add3A, %mul3A_1 : i32
    "tpu.region"() ({
      %run_scoped3A = tpu.sem_alloc : memref<!tpu.dma_semaphore, #tpu.memory_space<semaphore_mem>>
      %dma_start3A_7 = tpu.memref_slice %arg2[%mul3A_2] : memref<512xi32, #tpu.memory_space<hbm>> -> memref<16xi32, #tpu.memory_space<hbm>>
      %dma_start3A_8 = tpu.memref_slice %arg2[%mul3A_2] : memref<512xi32, #tpu.memory_space<hbm>> -> memref<16xi32, #tpu.memory_space<hbm>>
      tpu.enqueue_dma source(%dma_start3A_8 : memref<16xi32, #tpu.memory_space<hbm>>) target(%arg5 : memref<16xi32, #tpu.memory_space<vmem>>) target_semaphore(%run_scoped3A : memref<!tpu.dma_semaphore, #tpu.memory_space<semaphore_mem>>)
      %dma_wait3A_9 = tpu.memref_slice %arg2[%mul3A_2] : memref<512xi32, #tpu.memory_space<hbm>> -> memref<16xi32, #tpu.memory_space<hbm>>
      %dma_wait3A_10 = tpu.memref_slice %arg2[%mul3A_2] : memref<512xi32, #tpu.memory_space<hbm>> -> memref<16xi32, #tpu.memory_space<hbm>>
      tpu.wait_dma2 semaphore(%run_scoped3A : memref<!tpu.dma_semaphore, #tpu.memory_space<semaphore_mem>>) src(%dma_wait3A_10 : memref<16xi32, #tpu.memory_space<hbm>>) dst(%arg5 : memref<16xi32, #tpu.memory_space<vmem>>)
      tpu.yield
    }) : () -> ()
    %dma_start3A = arith.constant 0 : i32
    %dma_start3A_3 = arith.constant 0 : i32
    %dma_start3A_4 = tpu.memref_slice %arg3[%dma_start3A, %dma_start3A_3] : memref<1024x128xf32, #tpu.memory_space<hbm>> -> memref<1024x128xf32, #tpu.memory_space<hbm>>
    tpu.enqueue_indirect_dma source(%dma_start3A_4 : memref<1024x128xf32, #tpu.memory_space<hbm>>) target(%arg6 : memref<16x128xf32, #tpu.memory_space<vmem>>) offsets(%arg5 : memref<16xi32, #tpu.memory_space<vmem>>) semaphore(%arg7 : memref<!tpu.dma_semaphore, #tpu.memory_space<semaphore_mem>>)
    %dma_wait3A = arith.constant 0 : i32
    %dma_wait3A_5 = arith.constant 0 : i32
    %dma_wait3A_6 = tpu.memref_slice %arg3[%dma_wait3A, %dma_wait3A_5] : memref<1024x128xf32, #tpu.memory_space<hbm>> -> memref<1024x128xf32, #tpu.memory_space<hbm>>
    tpu.wait_indirect_dma semaphore(%arg7 : memref<!tpu.dma_semaphore, #tpu.memory_space<semaphore_mem>>) src(%dma_wait3A_6 : memref<1024x128xf32, #tpu.memory_space<hbm>>) dst(%arg6 : memref<16x128xf32, #tpu.memory_space<vmem>>)
    "tpu.region"() ({
      %run_scoped3A = tpu.sem_alloc : memref<!tpu.dma_semaphore, #tpu.memory_space<semaphore_mem>>
      %dma_start3A_7 = arith.constant 0 : i32
      %dma_start3A_8 = tpu.memref_slice %arg4[%mul3A_2, %dma_start3A_7] : memref<512x128xf32, #tpu.memory_space<hbm>> -> memref<16x128xf32, #tpu.memory_space<hbm>>
      %dma_start3A_9 = arith.constant 0 : i32
      %dma_start3A_10 = tpu.memref_slice %arg4[%mul3A_2, %dma_start3A_9] : memref<512x128xf32, #tpu.memory_space<hbm>> -> memref<16x128xf32, #tpu.memory_space<hbm>>
      tpu.enqueue_dma source(%arg6 : memref<16x128xf32, #tpu.memory_space<vmem>>) target(%dma_start3A_10 : memref<16x128xf32, #tpu.memory_space<hbm>>) target_semaphore(%run_scoped3A : memref<!tpu.dma_semaphore, #tpu.memory_space<semaphore_mem>>)
      %dma_wait3A_11 = arith.constant 0 : i32
      %dma_wait3A_12 = tpu.memref_slice %arg4[%mul3A_2, %dma_wait3A_11] : memref<512x128xf32, #tpu.memory_space<hbm>> -> memref<16x128xf32, #tpu.memory_space<hbm>>
      %dma_wait3A_13 = arith.constant 0 : i32
      %dma_wait3A_14 = tpu.memref_slice %arg4[%mul3A_2, %dma_wait3A_13] : memref<512x128xf32, #tpu.memory_space<hbm>> -> memref<16x128xf32, #tpu.memory_space<hbm>>
      tpu.wait_dma2 semaphore(%run_scoped3A : memref<!tpu.dma_semaphore, #tpu.memory_space<semaphore_mem>>) src(%arg6 : memref<16x128xf32, #tpu.memory_space<vmem>>) dst(%dma_wait3A_14 : memref<16x128xf32, #tpu.memory_space<hbm>>)
      tpu.yield
    }) : () -> ()
    return
  }
}

module attributes {stable_mosaic.version = 14 : i64} {
  func.func @_encode_body(%arg0: memref<256x64xf32, #tpu.memory_space<vmem>>, %arg1: memref<1024x64xf32, #tpu.memory_space<vmem>>, %arg2: memref<256x1xi32, #tpu.memory_space<vmem>>) attributes {dimension_semantics = [], scalar_prefetch = 0 : i64, scratch_operands = 0 : i64, tpu.core_type = #tpu.core_type<tc>} {
    %get3A = arith.constant 0 : index
    %get3A_0 = arith.constant 0 : index
    %get3A_1 = vector.load %arg0[%get3A, %get3A_0] : memref<256x64xf32, #tpu.memory_space<vmem>>, vector<256x64xf32>
    %get3A_2 = arith.constant 0 : index
    %get3A_3 = arith.constant 0 : index
    %get3A_4 = vector.load %arg1[%get3A_2, %get3A_3] : memref<1024x64xf32, #tpu.memory_space<vmem>>, vector<1024x64xf32>
    %dot_general3A = arith.constant dense<0.000000e+00> : vector<256x1024xf32>
    %dot_general3A_5 = tpu.matmul %get3A_1, %get3A_4, %dot_general3A {dimension_numbers = #tpu.dot_dimension_numbers<[1], [1], [0], [0], [0, 0, 1, 0], [], []>, transpose_lhs_hint = false} : vector<256x64xf32>, vector<1024x64xf32>, vector<256x1024xf32> -> vector<256x1024xf32>
    %mul3A = arith.mulf %get3A_1, %get3A_1 : vector<256x64xf32>
    %reduce_sum3A = arith.constant dense<0.000000e+00> : vector<256xf32>
    %reduce_sum3A_6 = vector.multi_reduction <add>, %mul3A, %reduce_sum3A [1] : vector<256x64xf32> to vector<256xf32>
    %broadcast_in_dim3A = vector.shape_cast %reduce_sum3A_6 : vector<256xf32> to vector<256x1xf32>
    %mul3A_7 = arith.constant 2.000000e+00 : f32
    %mul3A_8 = vector.broadcast %mul3A_7 : f32 to vector<256x1024xf32>
    %mul3A_9 = arith.mulf %mul3A_8, %dot_general3A_5 : vector<256x1024xf32>
    %sub3A = vector.broadcast %broadcast_in_dim3A : vector<256x1xf32> to vector<256x1024xf32>
    %sub3A_10 = arith.subf %sub3A, %mul3A_9 : vector<256x1024xf32>
    %mul3A_11 = arith.mulf %get3A_4, %get3A_4 : vector<1024x64xf32>
    %reduce_sum3A_12 = arith.constant dense<0.000000e+00> : vector<1024xf32>
    %reduce_sum3A_13 = vector.multi_reduction <add>, %mul3A_11, %reduce_sum3A_12 [1] : vector<1024x64xf32> to vector<1024xf32>
    %broadcast_in_dim3A_14 = vector.shape_cast %reduce_sum3A_13 : vector<1024xf32> to vector<1x1024xf32>
    %add3A = vector.broadcast %broadcast_in_dim3A_14 : vector<1x1024xf32> to vector<256x1024xf32>
    %add3A_15 = arith.addf %sub3A_10, %add3A : vector<256x1024xf32>
    %reduce_min3A = arith.constant dense<0x7F800000> : vector<256xf32>
    %reduce_min3A_16 = vector.multi_reduction <minimumf>, %add3A_15, %reduce_min3A [1] : vector<256x1024xf32> to vector<256xf32>
    %broadcast_in_dim3A_17 = vector.shape_cast %reduce_min3A_16 : vector<256xf32> to vector<256x1xf32>
    %iota3A = tpu.iota {dimensions = array<i32: 1>} : vector<256x1024xi32>
    %eq3A = vector.broadcast %broadcast_in_dim3A_17 : vector<256x1xf32> to vector<256x1024xf32>
    %eq3A_18 = arith.cmpf oeq, %add3A_15, %eq3A : vector<256x1024xf32>
    %jit3A = arith.constant 1024 : i32
    %broadcast_in_dim3A_19 = vector.broadcast %jit3A : i32 to vector<256x1024xi32>
    %select_n3A = arith.select %eq3A_18, %iota3A, %broadcast_in_dim3A_19 : vector<256x1024xi1>, vector<256x1024xi32>
    %reduce_min3A_20 = arith.constant dense<2147483647> : vector<256xi32>
    %reduce_min3A_21 = vector.multi_reduction <minsi>, %select_n3A, %reduce_min3A_20 [1] : vector<256x1024xi32> to vector<256xi32>
    %broadcast_in_dim3A_22 = vector.shape_cast %reduce_min3A_21 : vector<256xi32> to vector<256x1xi32>
    %swap3A = arith.constant 0 : index
    %swap3A_23 = arith.constant 0 : index
    %swap3A_24 = vector.load %arg2[%swap3A, %swap3A_23] : memref<256x1xi32, #tpu.memory_space<vmem>>, vector<256x1xi32>
    tpu.vector_store %arg2[%swap3A, %swap3A_23], %broadcast_in_dim3A_22 {strides = array<i32>} : memref<256x1xi32, #tpu.memory_space<vmem>>, vector<256x1xi32>,
    return
  }
}

module attributes {stable_mosaic.version = 14 : i64} {
  func.func @_bs_body(%arg0: memref<256x1xi32, #tpu.memory_space<smem>>, %arg1: memref<1024x1024xf32, #tpu.memory_space<vmem>>, %arg2: memref<1024x1024xf32, #tpu.memory_space<vmem>>, %arg3: memref<1024x1024xf32, #tpu.memory_space<vmem>>, %arg4: memref<1024x1024xf32, #tpu.memory_space<vmem>>, %arg5: memref<2x256xi32, #tpu.memory_space<smem>>, %arg6: memref<8x1024xf32, #tpu.memory_space<vmem>>, %arg7: memref<8x1024xf32, #tpu.memory_space<vmem>>, %arg8: memref<255x4xi32, #tpu.memory_space<smem>>, %arg9: memref<255x4xi32, #tpu.memory_space<smem>>, %arg10: memref<255x4xi32, #tpu.memory_space<smem>>, %arg11: memref<4xi32, #tpu.memory_space<smem>>, %arg12: memref<4xi32, #tpu.memory_space<smem>>) attributes {dimension_semantics = [], scalar_prefetch = 0 : i64, scratch_operands = 7 : i64, tpu.core_type = #tpu.core_type<tc>} {
    %get3A = arith.constant 0 : index
    %get3A_0 = arith.constant 0 : index
    %get3A_1 = memref.load %arg0[%get3A, %get3A_0] : memref<256x1xi32, #tpu.memory_space<smem>>
    %get3A_2 = arith.constant 0 : index
    %get3A_3 = arith.constant 0 : index
    %get3A_4 = vector.load %arg1[%get3A_2, %get3A_3] : memref<1024x1024xf32, #tpu.memory_space<vmem>>, vector<1x1024xf32>
    %get3A_5 = arith.constant 0 : index
    %get3A_6 = arith.constant 0 : index
    %get3A_7 = vector.load %arg2[%get3A_5, %get3A_6] : memref<1024x1024xf32, #tpu.memory_space<vmem>>, vector<1x1024xf32>
    %concatenate3A = tpu.concatenate %get3A_4, %get3A_7 in 0 : vector<1x1024xf32>, vector<1x1024xf32> -> vector<2x1024xf32>
    %get3A_8 = arith.index_cast %get3A_1 : i32 to index
    %get3A_9 = arith.constant 0 : index
    %get3A_10 = vector.load %arg3[%get3A_8, %get3A_9] : memref<1024x1024xf32, #tpu.memory_space<vmem>>, vector<1x1024xf32>
    %get3A_11 = arith.index_cast %get3A_1 : i32 to index
    %get3A_12 = arith.constant 0 : index
    %get3A_13 = vector.load %arg4[%get3A_11, %get3A_12] : memref<1024x1024xf32, #tpu.memory_space<vmem>>, vector<1x1024xf32>
    %concatenate3A_14 = tpu.concatenate %get3A_10, %get3A_13 in 0 : vector<1x1024xf32>, vector<1x1024xf32> -> vector<2x1024xf32>
    %add3A = arith.addf %concatenate3A, %concatenate3A_14 : vector<2x1024xf32>
    %bitcast_convert_type3A = tpu.bitcast %add3A : vector<2x1024xf32> -> vector<2x1024xi32>
    %shift_right_arithmetic3A = arith.constant 31 : i32
    %shift_right_arithmetic3A_15 = vector.broadcast %shift_right_arithmetic3A : i32 to vector<2x1024xi32>
    %shift_right_arithmetic3A_16 = arith.shrsi %bitcast_convert_type3A, %shift_right_arithmetic3A_15 : vector<2x1024xi32>
    %or3A = arith.constant -2147483648 : i32
    %or3A_17 = vector.broadcast %or3A : i32 to vector<2x1024xi32>
    %or3A_18 = arith.ori %shift_right_arithmetic3A_16, %or3A_17 : vector<2x1024xi32>
    %xor3A = arith.xori %bitcast_convert_type3A, %or3A_18 : vector<2x1024xi32>
    %iota3A = tpu.iota {dimensions = array<i32: 1>} : vector<2x1024xi32>
    %and3A = arith.constant -1024 : i32
    %and3A_19 = vector.broadcast %and3A : i32 to vector<2x1024xi32>
    %and3A_20 = arith.andi %xor3A, %and3A_19 : vector<2x1024xi32>
    %sub3A = arith.constant 1023 : i32
    %sub3A_21 = vector.broadcast %sub3A : i32 to vector<2x1024xi32>
    %sub3A_22 = arith.subi %sub3A_21, %iota3A : vector<2x1024xi32>
    %or3A_23 = arith.ori %and3A_20, %sub3A_22 : vector<2x1024xi32>
    %shift_right_arithmetic3A_24 = arith.constant 31 : i32
    %shift_right_arithmetic3A_25 = vector.broadcast %shift_right_arithmetic3A_24 : i32 to vector<2x1024xi32>
    %shift_right_arithmetic3A_26 = arith.shrsi %or3A_23, %shift_right_arithmetic3A_25 : vector<2x1024xi32>
    %not3A = arith.constant dense<-1> : vector<2x1024xi32>
    %not3A_27 = arith.xori %shift_right_arithmetic3A_26, %not3A : vector<2x1024xi32>
    %or3A_28 = arith.constant -2147483648 : i32
    %or3A_29 = vector.broadcast %or3A_28 : i32 to vector<2x1024xi32>
    %or3A_30 = arith.ori %not3A_27, %or3A_29 : vector<2x1024xi32>
    %xor3A_31 = arith.xori %or3A_23, %or3A_30 : vector<2x1024xi32>
    %bitcast_convert_type3A_32 = tpu.bitcast %xor3A_31 : vector<2x1024xi32> -> vector<2x1024xf32>
    %reduce_max3A = arith.constant dense<0xFF800000> : vector<2xf32>
    %reduce_max3A_33 = vector.multi_reduction <maximumf>, %bitcast_convert_type3A_32, %reduce_max3A [1] : vector<2x1024xf32> to vector<2xf32>
    %broadcast_in_dim3A = vector.shape_cast %reduce_max3A_33 : vector<2xf32> to vector<2x1xf32>
    %eq3A = vector.broadcast %broadcast_in_dim3A : vector<2x1xf32> to vector<2x1024xf32>
    %eq3A_34 = arith.cmpf oeq, %bitcast_convert_type3A_32, %eq3A : vector<2x1024xf32>
    %bitcast_convert_type3A_35 = tpu.bitcast %broadcast_in_dim3A : vector<2x1xf32> -> vector<2x1xi32>
    %shift_right_arithmetic3A_36 = arith.constant 31 : i32
    %shift_right_arithmetic3A_37 = vector.broadcast %shift_right_arithmetic3A_36 : i32 to vector<2x1xi32>
    %shift_right_arithmetic3A_38 = arith.shrsi %bitcast_convert_type3A_35, %shift_right_arithmetic3A_37 : vector<2x1xi32>
    %or3A_39 = arith.constant -2147483648 : i32
    %or3A_40 = vector.broadcast %or3A_39 : i32 to vector<2x1xi32>
    %or3A_41 = arith.ori %shift_right_arithmetic3A_38, %or3A_40 : vector<2x1xi32>
    %xor3A_42 = arith.xori %bitcast_convert_type3A_35, %or3A_41 : vector<2x1xi32>
    %and3A_43 = arith.constant 1023 : i32
    %and3A_44 = vector.broadcast %and3A_43 : i32 to vector<2x1xi32>
    %and3A_45 = arith.andi %xor3A_42, %and3A_44 : vector<2x1xi32>
    %sub3A_46 = arith.constant 1023 : i32
    %sub3A_47 = vector.broadcast %sub3A_46 : i32 to vector<2x1xi32>
    %sub3A_48 = arith.subi %sub3A_47, %and3A_45 : vector<2x1xi32>
    %jit3A = arith.constant 0xFF800000 : f32
    %broadcast_in_dim3A_49 = vector.broadcast %jit3A : f32 to vector<2x1024xf32>
    %select_n3A = arith.select %eq3A_34, %broadcast_in_dim3A_49, %bitcast_convert_type3A_32 : vector<2x1024xi1>, vector<2x1024xf32>
    %reduce_max3A_50 = arith.constant dense<0xFF800000> : vector<2xf32>
    %reduce_max3A_51 = vector.multi_reduction <maximumf>, %select_n3A, %reduce_max3A_50 [1] : vector<2x1024xf32> to vector<2xf32>
    %broadcast_in_dim3A_52 = vector.shape_cast %reduce_max3A_51 : vector<2xf32> to vector<2x1xf32>
    %eq3A_53 = vector.broadcast %broadcast_in_dim3A_52 : vector<2x1xf32> to vector<2x1024xf32>
    %eq3A_54 = arith.cmpf oeq, %select_n3A, %eq3A_53 : vector<2x1024xf32>
    %bitcast_convert_type3A_55 = tpu.bitcast %broadcast_in_dim3A_52 : vector<2x1xf32> -> vector<2x1xi32>
    %shift_right_arithmetic3A_56 = arith.constant 31 : i32
    %shift_right_arithmetic3A_57 = vector.broadcast %shift_right_arithmetic3A_56 : i32 to vector<2x1xi32>
    %shift_right_arithmetic3A_58 = arith.shrsi %bitcast_convert_type3A_55, %shift_right_arithmetic3A_57 : vector<2x1xi32>
    %or3A_59 = arith.constant -2147483648 : i32
    %or3A_60 = vector.broadcast %or3A_59 : i32 to vector<2x1xi32>
    %or3A_61 = arith.ori %shift_right_arithmetic3A_58, %or3A_60 : vector<2x1xi32>
    %xor3A_62 = arith.xori %bitcast_convert_type3A_55, %or3A_61 : vector<2x1xi32>
    %and3A_63 = arith.constant 1023 : i32
    %and3A_64 = vector.broadcast %and3A_63 : i32 to vector<2x1xi32>
    %and3A_65 = arith.andi %xor3A_62, %and3A_64 : vector<2x1xi32>
    %sub3A_66 = arith.constant 1023 : i32
    %sub3A_67 = vector.broadcast %sub3A_66 : i32 to vector<2x1xi32>
    %sub3A_68 = arith.subi %sub3A_67, %and3A_65 : vector<2x1xi32>
    %jit3A_69 = arith.constant 0xFF800000 : f32
    %broadcast_in_dim3A_70 = vector.broadcast %jit3A_69 : f32 to vector<2x1024xf32>
    %select_n3A_71 = arith.select %eq3A_54, %broadcast_in_dim3A_70, %select_n3A : vector<2x1024xi1>, vector<2x1024xf32>
    %reduce_max3A_72 = arith.constant dense<0xFF800000> : vector<2xf32>
    %reduce_max3A_73 = vector.multi_reduction <maximumf>, %select_n3A_71, %reduce_max3A_72 [1] : vector<2x1024xf32> to vector<2xf32>
    %broadcast_in_dim3A_74 = vector.shape_cast %reduce_max3A_73 : vector<2xf32> to vector<2x1xf32>
    %eq3A_75 = vector.broadcast %broadcast_in_dim3A_74 : vector<2x1xf32> to vector<2x1024xf32>
    %eq3A_76 = arith.cmpf oeq, %select_n3A_71, %eq3A_75 : vector<2x1024xf32>
    %bitcast_convert_type3A_77 = tpu.bitcast %broadcast_in_dim3A_74 : vector<2x1xf32> -> vector<2x1xi32>
    %shift_right_arithmetic3A_78 = arith.constant 31 : i32
    %shift_right_arithmetic3A_79 = vector.broadcast %shift_right_arithmetic3A_78 : i32 to vector<2x1xi32>
    %shift_right_arithmetic3A_80 = arith.shrsi %bitcast_convert_type3A_77, %shift_right_arithmetic3A_79 : vector<2x1xi32>
    %or3A_81 = arith.constant -2147483648 : i32
    %or3A_82 = vector.broadcast %or3A_81 : i32 to vector<2x1xi32>
    %or3A_83 = arith.ori %shift_right_arithmetic3A_80, %or3A_82 : vector<2x1xi32>
    %xor3A_84 = arith.xori %bitcast_convert_type3A_77, %or3A_83 : vector<2x1xi32>
    %and3A_85 = arith.constant 1023 : i32
    %and3A_86 = vector.broadcast %and3A_85 : i32 to vector<2x1xi32>
    %and3A_87 = arith.andi %xor3A_84, %and3A_86 : vector<2x1xi32>
    %sub3A_88 = arith.constant 1023 : i32
    %sub3A_89 = vector.broadcast %sub3A_88 : i32 to vector<2x1xi32>
    %sub3A_90 = arith.subi %sub3A_89, %and3A_87 : vector<2x1xi32>
    %jit3A_91 = arith.constant 0xFF800000 : f32
    %broadcast_in_dim3A_92 = vector.broadcast %jit3A_91 : f32 to vector<2x1024xf32>
    %select_n3A_93 = arith.select %eq3A_76, %broadcast_in_dim3A_92, %select_n3A_71 : vector<2x1024xi1>, vector<2x1024xf32>
    %reduce_max3A_94 = arith.constant dense<0xFF800000> : vector<2xf32>
    %reduce_max3A_95 = vector.multi_reduction <maximumf>, %select_n3A_93, %reduce_max3A_94 [1] : vector<2x1024xf32> to vector<2xf32>
    %broadcast_in_dim3A_96 = vector.shape_cast %reduce_max3A_95 : vector<2xf32> to vector<2x1xf32>
    %eq3A_97 = vector.broadcast %broadcast_in_dim3A_96 : vector<2x1xf32> to vector<2x1024xf32>
    %eq3A_98 = arith.cmpf oeq, %select_n3A_93, %eq3A_97 : vector<2x1024xf32>
    %bitcast_convert_type3A_99 = tpu.bitcast %broadcast_in_dim3A_96 : vector<2x1xf32> -> vector<2x1xi32>
    %shift_right_arithmetic3A_100 = arith.constant 31 : i32
    %shift_right_arithmetic3A_101 = vector.broadcast %shift_right_arithmetic3A_100 : i32 to vector<2x1xi32>
    %shift_right_arithmetic3A_102 = arith.shrsi %bitcast_convert_type3A_99, %shift_right_arithmetic3A_101 : vector<2x1xi32>
    %or3A_103 = arith.constant -2147483648 : i32
    %or3A_104 = vector.broadcast %or3A_103 : i32 to vector<2x1xi32>
    %or3A_105 = arith.ori %shift_right_arithmetic3A_102, %or3A_104 : vector<2x1xi32>
    %xor3A_106 = arith.xori %bitcast_convert_type3A_99, %or3A_105 : vector<2x1xi32>
    %and3A_107 = arith.constant 1023 : i32
    %and3A_108 = vector.broadcast %and3A_107 : i32 to vector<2x1xi32>
    %and3A_109 = arith.andi %xor3A_106, %and3A_108 : vector<2x1xi32>
    %sub3A_110 = arith.constant 1023 : i32
    %sub3A_111 = vector.broadcast %sub3A_110 : i32 to vector<2x1xi32>
    %sub3A_112 = arith.subi %sub3A_111, %and3A_109 : vector<2x1xi32>
    %jit3A_113 = arith.constant 0xFF800000 : f32
    %broadcast_in_dim3A_114 = vector.broadcast %jit3A_113 : f32 to vector<2x1024xf32>
    %select_n3A_115 = arith.select %eq3A_98, %broadcast_in_dim3A_114, %select_n3A_93 : vector<2x1024xi1>, vector<2x1024xf32>
    %reduce_max3A_116 = arith.constant dense<0xFF800000> : vector<2xf32>
    %reduce_max3A_117 = vector.multi_reduction <maximumf>, %select_n3A_115, %reduce_max3A_116 [1] : vector<2x1024xf32> to vector<2xf32>
    %broadcast_in_dim3A_118 = vector.shape_cast %reduce_max3A_117 : vector<2xf32> to vector<2x1xf32>
    %eq3A_119 = vector.broadcast %broadcast_in_dim3A_118 : vector<2x1xf32> to vector<2x1024xf32>
    %eq3A_120 = arith.cmpf oeq, %select_n3A_115, %eq3A_119 : vector<2x1024xf32>
    %bitcast_convert_type3A_121 = tpu.bitcast %broadcast_in_dim3A_118 : vector<2x1xf32> -> vector<2x1xi32>
    %shift_right_arithmetic3A_122 = arith.constant 31 : i32
    %shift_right_arithmetic3A_123 = vector.broadcast %shift_right_arithmetic3A_122 : i32 to vector<2x1xi32>
    %shift_right_arithmetic3A_124 = arith.shrsi %bitcast_convert_type3A_121, %shift_right_arithmetic3A_123 : vector<2x1xi32>
    %or3A_125 = arith.constant -2147483648 : i32
    %or3A_126 = vector.broadcast %or3A_125 : i32 to vector<2x1xi32>
    %or3A_127 = arith.ori %shift_right_arithmetic3A_124, %or3A_126 : vector<2x1xi32>
    %xor3A_128 = arith.xori %bitcast_convert_type3A_121, %or3A_127 : vector<2x1xi32>
    %and3A_129 = arith.constant 1023 : i32
    %and3A_130 = vector.broadcast %and3A_129 : i32 to vector<2x1xi32>
    %and3A_131 = arith.andi %xor3A_128, %and3A_130 : vector<2x1xi32>
    %sub3A_132 = arith.constant 1023 : i32
    %sub3A_133 = vector.broadcast %sub3A_132 : i32 to vector<2x1xi32>
    %sub3A_134 = arith.subi %sub3A_133, %and3A_131 : vector<2x1xi32>
    %jit3A_135 = arith.constant 0xFF800000 : f32
    %broadcast_in_dim3A_136 = vector.broadcast %jit3A_135 : f32 to vector<2x1024xf32>
    %select_n3A_137 = arith.select %eq3A_120, %broadcast_in_dim3A_136, %select_n3A_115 : vector<2x1024xi1>, vector<2x1024xf32>
    %reduce_max3A_138 = arith.constant dense<0xFF800000> : vector<2xf32>
    %reduce_max3A_139 = vector.multi_reduction <maximumf>, %select_n3A_137, %reduce_max3A_138 [1] : vector<2x1024xf32> to vector<2xf32>
    %broadcast_in_dim3A_140 = vector.shape_cast %reduce_max3A_139 : vector<2xf32> to vector<2x1xf32>
    %eq3A_141 = vector.broadcast %broadcast_in_dim3A_140 : vector<2x1xf32> to vector<2x1024xf32>
    %eq3A_142 = arith.cmpf oeq, %select_n3A_137, %eq3A_141 : vector<2x1024xf32>
    %bitcast_convert_type3A_143 = tpu.bitcast %broadcast_in_dim3A_140 : vector<2x1xf32> -> vector<2x1xi32>
    %shift_right_arithmetic3A_144 = arith.constant 31 : i32
    %shift_right_arithmetic3A_145 = vector.broadcast %shift_right_arithmetic3A_144 : i32 to vector<2x1xi32>
    %shift_right_arithmetic3A_146 = arith.shrsi %bitcast_convert_type3A_143, %shift_right_arithmetic3A_145 : vector<2x1xi32>
    %or3A_147 = arith.constant -2147483648 : i32
    %or3A_148 = vector.broadcast %or3A_147 : i32 to vector<2x1xi32>
    %or3A_149 = arith.ori %shift_right_arithmetic3A_146, %or3A_148 : vector<2x1xi32>
    %xor3A_150 = arith.xori %bitcast_convert_type3A_143, %or3A_149 : vector<2x1xi32>
    %and3A_151 = arith.constant 1023 : i32
    %and3A_152 = vector.broadcast %and3A_151 : i32 to vector<2x1xi32>
    %and3A_153 = arith.andi %xor3A_150, %and3A_152 : vector<2x1xi32>
    %sub3A_154 = arith.constant 1023 : i32
    %sub3A_155 = vector.broadcast %sub3A_154 : i32 to vector<2x1xi32>
    %sub3A_156 = arith.subi %sub3A_155, %and3A_153 : vector<2x1xi32>
    %jit3A_157 = arith.constant 0.000000e+00 : f32
    %broadcast_in_dim3A_158 = vector.broadcast %jit3A_157 : f32 to vector<2x1024xf32>
    %select_n3A_159 = arith.select %eq3A_34, %concatenate3A, %broadcast_in_dim3A_158 : vector<2x1024xi1>, vector<2x1024xf32>
    %reduce_sum3A = arith.constant dense<0.000000e+00> : vector<2xf32>
    %reduce_sum3A_160 = vector.multi_reduction <add>, %select_n3A_159, %reduce_sum3A [1] : vector<2x1024xf32> to vector<2xf32>
    %broadcast_in_dim3A_161 = vector.shape_cast %reduce_sum3A_160 : vector<2xf32> to vector<2x1xf32>
    %jit3A_162 = arith.constant 0.000000e+00 : f32
    %broadcast_in_dim3A_163 = vector.broadcast %jit3A_162 : f32 to vector<2x1024xf32>
    %select_n3A_164 = arith.select %eq3A_34, %concatenate3A_14, %broadcast_in_dim3A_163 : vector<2x1024xi1>, vector<2x1024xf32>
    %reduce_sum3A_165 = arith.constant dense<0.000000e+00> : vector<2xf32>
    %reduce_sum3A_166 = vector.multi_reduction <add>, %select_n3A_164, %reduce_sum3A_165 [1] : vector<2x1024xf32> to vector<2xf32>
    %broadcast_in_dim3A_167 = vector.shape_cast %reduce_sum3A_166 : vector<2xf32> to vector<2x1xf32>
    %jit3A_168 = arith.constant 0.000000e+00 : f32
    %broadcast_in_dim3A_169 = vector.broadcast %jit3A_168 : f32 to vector<2x1024xf32>
    %select_n3A_170 = arith.select %eq3A_54, %concatenate3A, %broadcast_in_dim3A_169 : vector<2x1024xi1>, vector<2x1024xf32>
    %reduce_sum3A_171 = arith.constant dense<0.000000e+00> : vector<2xf32>
    %reduce_sum3A_172 = vector.multi_reduction <add>, %select_n3A_170, %reduce_sum3A_171 [1] : vector<2x1024xf32> to vector<2xf32>
    %broadcast_in_dim3A_173 = vector.shape_cast %reduce_sum3A_172 : vector<2xf32> to vector<2x1xf32>
    %jit3A_174 = arith.constant 0.000000e+00 : f32
    %broadcast_in_dim3A_175 = vector.broadcast %jit3A_174 : f32 to vector<2x1024xf32>
    %select_n3A_176 = arith.select %eq3A_54, %concatenate3A_14, %broadcast_in_dim3A_175 : vector<2x1024xi1>, vector<2x1024xf32>
    %reduce_sum3A_177 = arith.constant dense<0.000000e+00> : vector<2xf32>
    %reduce_sum3A_178 = vector.multi_reduction <add>, %select_n3A_176, %reduce_sum3A_177 [1] : vector<2x1024xf32> to vector<2xf32>
    %broadcast_in_dim3A_179 = vector.shape_cast %reduce_sum3A_178 : vector<2xf32> to vector<2x1xf32>
    %jit3A_180 = arith.constant 0.000000e+00 : f32
    %broadcast_in_dim3A_181 = vector.broadcast %jit3A_180 : f32 to vector<2x1024xf32>
    %select_n3A_182 = arith.select %eq3A_76, %concatenate3A, %broadcast_in_dim3A_181 : vector<2x1024xi1>, vector<2x1024xf32>
    %reduce_sum3A_183 = arith.constant dense<0.000000e+00> : vector<2xf32>
    %reduce_sum3A_184 = vector.multi_reduction <add>, %select_n3A_182, %reduce_sum3A_183 [1] : vector<2x1024xf32> to vector<2xf32>
    %broadcast_in_dim3A_185 = vector.shape_cast %reduce_sum3A_184 : vector<2xf32> to vector<2x1xf32>
    %jit3A_186 = arith.constant 0.000000e+00 : f32
    %broadcast_in_dim3A_187 = vector.broadcast %jit3A_186 : f32 to vector<2x1024xf32>
    %select_n3A_188 = arith.select %eq3A_76, %concatenate3A_14, %broadcast_in_dim3A_187 : vector<2x1024xi1>, vector<2x1024xf32>
    %reduce_sum3A_189 = arith.constant dense<0.000000e+00> : vector<2xf32>
    %reduce_sum3A_190 = vector.multi_reduction <add>, %select_n3A_188, %reduce_sum3A_189 [1] : vector<2x1024xf32> to vector<2xf32>
    %broadcast_in_dim3A_191 = vector.shape_cast %reduce_sum3A_190 : vector<2xf32> to vector<2x1xf32>
    %jit3A_192 = arith.constant 0.000000e+00 : f32
    %broadcast_in_dim3A_193 = vector.broadcast %jit3A_192 : f32 to vector<2x1024xf32>
    %select_n3A_194 = arith.select %eq3A_98, %concatenate3A, %broadcast_in_dim3A_193 : vector<2x1024xi1>, vector<2x1024xf32>
    %reduce_sum3A_195 = arith.constant dense<0.000000e+00> : vector<2xf32>
    %reduce_sum3A_196 = vector.multi_reduction <add>, %select_n3A_194, %reduce_sum3A_195 [1] : vector<2x1024xf32> to vector<2xf32>
    %broadcast_in_dim3A_197 = vector.shape_cast %reduce_sum3A_196 : vector<2xf32> to vector<2x1xf32>
    %jit3A_198 = arith.constant 0.000000e+00 : f32
    %broadcast_in_dim3A_199 = vector.broadcast %jit3A_198 : f32 to vector<2x1024xf32>
    %select_n3A_200 = arith.select %eq3A_98, %concatenate3A_14, %broadcast_in_dim3A_199 : vector<2x1024xi1>, vector<2x1024xf32>
    %reduce_sum3A_201 = arith.constant dense<0.000000e+00> : vector<2xf32>
    %reduce_sum3A_202 = vector.multi_reduction <add>, %select_n3A_200, %reduce_sum3A_201 [1] : vector<2x1024xf32> to vector<2xf32>
    %broadcast_in_dim3A_203 = vector.shape_cast %reduce_sum3A_202 : vector<2xf32> to vector<2x1xf32>
    %jit3A_204 = arith.constant 0.000000e+00 : f32
    %broadcast_in_dim3A_205 = vector.broadcast %jit3A_204 : f32 to vector<2x1024xf32>
    %select_n3A_206 = arith.select %eq3A_120, %concatenate3A, %broadcast_in_dim3A_205 : vector<2x1024xi1>, vector<2x1024xf32>
    %reduce_sum3A_207 = arith.constant dense<0.000000e+00> : vector<2xf32>
    %reduce_sum3A_208 = vector.multi_reduction <add>, %select_n3A_206, %reduce_sum3A_207 [1] : vector<2x1024xf32> to vector<2xf32>
    %broadcast_in_dim3A_209 = vector.shape_cast %reduce_sum3A_208 : vector<2xf32> to vector<2x1xf32>
    %jit3A_210 = arith.constant 0.000000e+00 : f32
    %broadcast_in_dim3A_211 = vector.broadcast %jit3A_210 : f32 to vector<2x1024xf32>
    %select_n3A_212 = arith.select %eq3A_120, %concatenate3A_14, %broadcast_in_dim3A_211 : vector<2x1024xi1>, vector<2x1024xf32>
    %reduce_sum3A_213 = arith.constant dense<0.000000e+00> : vector<2xf32>
    %reduce_sum3A_214 = vector.multi_reduction <add>, %select_n3A_212, %reduce_sum3A_213 [1] : vector<2x1024xf32> to vector<2xf32>
    %broadcast_in_dim3A_215 = vector.shape_cast %reduce_sum3A_214 : vector<2xf32> to vector<2x1xf32>
    %jit3A_216 = arith.constant 0.000000e+00 : f32
    %broadcast_in_dim3A_217 = vector.broadcast %jit3A_216 : f32 to vector<2x1024xf32>
    %select_n3A_218 = arith.select %eq3A_142, %concatenate3A, %broadcast_in_dim3A_217 : vector<2x1024xi1>, vector<2x1024xf32>
    %reduce_sum3A_219 = arith.constant dense<0.000000e+00> : vector<2xf32>
    %reduce_sum3A_220 = vector.multi_reduction <add>, %select_n3A_218, %reduce_sum3A_219 [1] : vector<2x1024xf32> to vector<2xf32>
    %broadcast_in_dim3A_221 = vector.shape_cast %reduce_sum3A_220 : vector<2xf32> to vector<2x1xf32>
    %jit3A_222 = arith.constant 0.000000e+00 : f32
    %broadcast_in_dim3A_223 = vector.broadcast %jit3A_222 : f32 to vector<2x1024xf32>
    %select_n3A_224 = arith.select %eq3A_142, %concatenate3A_14, %broadcast_in_dim3A_223 : vector<2x1024xi1>, vector<2x1024xf32>
    %reduce_sum3A_225 = arith.constant dense<0.000000e+00> : vector<2xf32>
    %reduce_sum3A_226 = vector.multi_reduction <add>, %select_n3A_224, %reduce_sum3A_225 [1] : vector<2x1024xf32> to vector<2xf32>
    %broadcast_in_dim3A_227 = vector.shape_cast %reduce_sum3A_226 : vector<2xf32> to vector<2x1xf32>
    %concatenate3A_228 = tpu.concatenate %sub3A_48, %sub3A_68, %sub3A_90, %sub3A_112, %sub3A_134, %sub3A_156 in 1 : vector<2x1xi32>, vector<2x1xi32>, vector<2x1xi32>, vector<2x1xi32>, vector<2x1xi32>, vector<2x1xi32> -> vector<2x6xi32>
    %concatenate3A_229 = tpu.concatenate %broadcast_in_dim3A_161, %broadcast_in_dim3A_173, %broadcast_in_dim3A_185, %broadcast_in_dim3A_197, %broadcast_in_dim3A_209, %broadcast_in_dim3A_221 in 1 : vector<2x1xf32>, vector<2x1xf32>, vector<2x1xf32>, vector<2x1xf32>, vector<2x1xf32>, vector<2x1xf32> -> vector<2x6xf32>
    %concatenate3A_230 = tpu.concatenate %broadcast_in_dim3A_167, %broadcast_in_dim3A_179, %broadcast_in_dim3A_191, %broadcast_in_dim3A_203, %broadcast_in_dim3A_215, %broadcast_in_dim3A_227 in 1 : vector<2x1xf32>, vector<2x1xf32>, vector<2x1xf32>, vector<2x1xf32>, vector<2x1xf32>, vector<2x1xf32> -> vector<2x6xf32>
    %slice3A = vector.extract_strided_slice %concatenate3A_229 {offsets = [0, 0], sizes = [1, 6], strides = [1, 1]} : vector<2x6xf32> to vector<1x6xf32>
    %slice3A_231 = vector.extract_strided_slice %concatenate3A_229 {offsets = [1, 0], sizes = [1, 6], strides = [1, 1]} : vector<2x6xf32> to vector<1x6xf32>
    %slice3A_232 = vector.extract_strided_slice %concatenate3A_230 {offsets = [0, 0], sizes = [1, 6], strides = [1, 1]} : vector<2x6xf32> to vector<1x6xf32>
    %slice3A_233 = vector.extract_strided_slice %concatenate3A_230 {offsets = [1, 0], sizes = [1, 6], strides = [1, 1]} : vector<2x6xf32> to vector<1x6xf32>
    %slice3A_234 = vector.extract_strided_slice %concatenate3A_228 {offsets = [0, 0], sizes = [1, 6], strides = [1, 1]} : vector<2x6xi32> to vector<1x6xi32>
    %slice3A_235 = vector.extract_strided_slice %concatenate3A_228 {offsets = [1, 0], sizes = [1, 6], strides = [1, 1]} : vector<2x6xi32> to vector<1x6xi32>
    %slice3A_236 = vector.extract_strided_slice %slice3A {offsets = [0, 0], sizes = [1, 1], strides = [1, 1]} : vector<1x6xf32> to vector<1x1xf32>
    %slice3A_237 = vector.extract_strided_slice %slice3A_232 {offsets = [0, 0], sizes = [1, 1], strides = [1, 1]} : vector<1x6xf32> to vector<1x1xf32>
    %add3A_238 = vector.broadcast %slice3A_236 : vector<1x1xf32> to vector<1x6xf32>
    %add3A_239 = arith.addf %add3A_238, %slice3A_231 : vector<1x6xf32>
    %add3A_240 = vector.broadcast %slice3A_237 : vector<1x1xf32> to vector<1x6xf32>
    %add3A_241 = arith.addf %add3A_239, %add3A_240 : vector<1x6xf32>
    %add3A_242 = arith.addf %add3A_241, %slice3A_233 : vector<1x6xf32>
    %slice3A_243 = vector.extract_strided_slice %slice3A_234 {offsets = [0, 0], sizes = [1, 1], strides = [1, 1]} : vector<1x6xi32> to vector<1x1xi32>
    %mul3A = arith.constant 1024 : i32
    %mul3A_244 = vector.broadcast %mul3A : i32 to vector<1x1xi32>
    %mul3A_245 = arith.muli %slice3A_243, %mul3A_244 : vector<1x1xi32>
    %add3A_246 = vector.broadcast %mul3A_245 : vector<1x1xi32> to vector<1x6xi32>
    %add3A_247 = arith.addi %add3A_246, %slice3A_235 : vector<1x6xi32>
    %slice3A_248 = vector.extract_strided_slice %slice3A {offsets = [0, 1], sizes = [1, 1], strides = [1, 1]} : vector<1x6xf32> to vector<1x1xf32>
    %slice3A_249 = vector.extract_strided_slice %slice3A_232 {offsets = [0, 1], sizes = [1, 1], strides = [1, 1]} : vector<1x6xf32> to vector<1x1xf32>
    %add3A_250 = vector.broadcast %slice3A_248 : vector<1x1xf32> to vector<1x6xf32>
    %add3A_251 = arith.addf %add3A_250, %slice3A_231 : vector<1x6xf32>
    %add3A_252 = vector.broadcast %slice3A_249 : vector<1x1xf32> to vector<1x6xf32>
    %add3A_253 = arith.addf %add3A_251, %add3A_252 : vector<1x6xf32>
    %add3A_254 = arith.addf %add3A_253, %slice3A_233 : vector<1x6xf32>
    %slice3A_255 = vector.extract_strided_slice %slice3A_234 {offsets = [0, 1], sizes = [1, 1], strides = [1, 1]} : vector<1x6xi32> to vector<1x1xi32>
    %mul3A_256 = arith.constant 1024 : i32
    %mul3A_257 = vector.broadcast %mul3A_256 : i32 to vector<1x1xi32>
    %mul3A_258 = arith.muli %slice3A_255, %mul3A_257 : vector<1x1xi32>
    %add3A_259 = vector.broadcast %mul3A_258 : vector<1x1xi32> to vector<1x6xi32>
    %add3A_260 = arith.addi %add3A_259, %slice3A_235 : vector<1x6xi32>
    %slice3A_261 = vector.extract_strided_slice %slice3A {offsets = [0, 2], sizes = [1, 1], strides = [1, 1]} : vector<1x6xf32> to vector<1x1xf32>
    %slice3A_262 = vector.extract_strided_slice %slice3A_232 {offsets = [0, 2], sizes = [1, 1], strides = [1, 1]} : vector<1x6xf32> to vector<1x1xf32>
    %add3A_263 = vector.broadcast %slice3A_261 : vector<1x1xf32> to vector<1x6xf32>
    %add3A_264 = arith.addf %add3A_263, %slice3A_231 : vector<1x6xf32>
    %add3A_265 = vector.broadcast %slice3A_262 : vector<1x1xf32> to vector<1x6xf32>
    %add3A_266 = arith.addf %add3A_264, %add3A_265 : vector<1x6xf32>
    %add3A_267 = arith.addf %add3A_266, %slice3A_233 : vector<1x6xf32>
    %slice3A_268 = vector.extract_strided_slice %slice3A_234 {offsets = [0, 2], sizes = [1, 1], strides = [1, 1]} : vector<1x6xi32> to vector<1x1xi32>
    %mul3A_269 = arith.constant 1024 : i32
    %mul3A_270 = vector.broadcast %mul3A_269 : i32 to vector<1x1xi32>
    %mul3A_271 = arith.muli %slice3A_268, %mul3A_270 : vector<1x1xi32>
    %add3A_272 = vector.broadcast %mul3A_271 : vector<1x1xi32> to vector<1x6xi32>
    %add3A_273 = arith.addi %add3A_272, %slice3A_235 : vector<1x6xi32>
    %slice3A_274 = vector.extract_strided_slice %slice3A {offsets = [0, 3], sizes = [1, 1], strides = [1, 1]} : vector<1x6xf32> to vector<1x1xf32>
    %slice3A_275 = vector.extract_strided_slice %slice3A_232 {offsets = [0, 3], sizes = [1, 1], strides = [1, 1]} : vector<1x6xf32> to vector<1x1xf32>
    %add3A_276 = vector.broadcast %slice3A_274 : vector<1x1xf32> to vector<1x6xf32>
    %add3A_277 = arith.addf %add3A_276, %slice3A_231 : vector<1x6xf32>
    %add3A_278 = vector.broadcast %slice3A_275 : vector<1x1xf32> to vector<1x6xf32>
    %add3A_279 = arith.addf %add3A_277, %add3A_278 : vector<1x6xf32>
    %add3A_280 = arith.addf %add3A_279, %slice3A_233 : vector<1x6xf32>
    %slice3A_281 = vector.extract_strided_slice %slice3A_234 {offsets = [0, 3], sizes = [1, 1], strides = [1, 1]} : vector<1x6xi32> to vector<1x1xi32>
    %mul3A_282 = arith.constant 1024 : i32
    %mul3A_283 = vector.broadcast %mul3A_282 : i32 to vector<1x1xi32>
    %mul3A_284 = arith.muli %slice3A_281, %mul3A_283 : vector<1x1xi32>
    %add3A_285 = vector.broadcast %mul3A_284 : vector<1x1xi32> to vector<1x6xi32>
    %add3A_286 = arith.addi %add3A_285, %slice3A_235 : vector<1x6xi32>
    %slice3A_287 = vector.extract_strided_slice %slice3A {offsets = [0, 4], sizes = [1, 1], strides = [1, 1]} : vector<1x6xf32> to vector<1x1xf32>
    %slice3A_288 = vector.extract_strided_slice %slice3A_232 {offsets = [0, 4], sizes = [1, 1], strides = [1, 1]} : vector<1x6xf32> to vector<1x1xf32>
    %add3A_289 = vector.broadcast %slice3A_287 : vector<1x1xf32> to vector<1x6xf32>
    %add3A_290 = arith.addf %add3A_289, %slice3A_231 : vector<1x6xf32>
    %add3A_291 = vector.broadcast %slice3A_288 : vector<1x1xf32> to vector<1x6xf32>
    %add3A_292 = arith.addf %add3A_290, %add3A_291 : vector<1x6xf32>
    %add3A_293 = arith.addf %add3A_292, %slice3A_233 : vector<1x6xf32>
    %slice3A_294 = vector.extract_strided_slice %slice3A_234 {offsets = [0, 4], sizes = [1, 1], strides = [1, 1]} : vector<1x6xi32> to vector<1x1xi32>
    %mul3A_295 = arith.constant 1024 : i32
    %mul3A_296 = vector.broadcast %mul3A_295 : i32 to vector<1x1xi32>
    %mul3A_297 = arith.muli %slice3A_294, %mul3A_296 : vector<1x1xi32>
    %add3A_298 = vector.broadcast %mul3A_297 : vector<1x1xi32> to vector<1x6xi32>
    %add3A_299 = arith.addi %add3A_298, %slice3A_235 : vector<1x6xi32>
    %slice3A_300 = vector.extract_strided_slice %slice3A {offsets = [0, 5], sizes = [1, 1], strides = [1, 1]} : vector<1x6xf32> to vector<1x1xf32>
    %slice3A_301 = vector.extract_strided_slice %slice3A_232 {offsets = [0, 5], sizes = [1, 1], strides = [1, 1]} : vector<1x6xf32> to vector<1x1xf32>
    %add3A_302 = vector.broadcast %slice3A_300 : vector<1x1xf32> to vector<1x6xf32>
    %add3A_303 = arith.addf %add3A_302, %slice3A_231 : vector<1x6xf32>
    %add3A_304 = vector.broadcast %slice3A_301 : vector<1x1xf32> to vector<1x6xf32>
    %add3A_305 = arith.addf %add3A_303, %add3A_304 : vector<1x6xf32>
    %add3A_306 = arith.addf %add3A_305, %slice3A_233 : vector<1x6xf32>
    %slice3A_307 = vector.extract_strided_slice %slice3A_234 {offsets = [0, 5], sizes = [1, 1], strides = [1, 1]} : vector<1x6xi32> to vector<1x1xi32>
    %mul3A_308 = arith.constant 1024 : i32
    %mul3A_309 = vector.broadcast %mul3A_308 : i32 to vector<1x1xi32>
    %mul3A_310 = arith.muli %slice3A_307, %mul3A_309 : vector<1x1xi32>
    %add3A_311 = vector.broadcast %mul3A_310 : vector<1x1xi32> to vector<1x6xi32>
    %add3A_312 = arith.addi %add3A_311, %slice3A_235 : vector<1x6xi32>
    %concatenate3A_313 = tpu.concatenate %add3A_242, %add3A_254, %add3A_267, %add3A_280, %add3A_293, %add3A_306 in 1 : vector<1x6xf32>, vector<1x6xf32>, vector<1x6xf32>, vector<1x6xf32>, vector<1x6xf32>, vector<1x6xf32> -> vector<1x36xf32>
    %concatenate3A_314 = tpu.concatenate %add3A_247, %add3A_260, %add3A_273, %add3A_286, %add3A_299, %add3A_312 in 1 : vector<1x6xi32>, vector<1x6xi32>, vector<1x6xi32>, vector<1x6xi32>, vector<1x6xi32>, vector<1x6xi32> -> vector<1x36xi32>
    %convert_element_type3A = arith.sitofp %concatenate3A_314 : vector<1x36xi32> to vector<1x36xf32>
    %reduce_max3A_315 = vector.shape_cast %concatenate3A_313 : vector<1x36xf32> to vector<1x1x36xf32>
    %reduce_max3A_316 = arith.constant dense<0xFF800000> : vector<1xf32>
    %reduce_max3A_317 = vector.multi_reduction <maximumf>, %reduce_max3A_315, %reduce_max3A_316 [1, 2] : vector<1x1x36xf32> to vector<1xf32>
    %reduce_max3A_318 = vector.shape_cast %reduce_max3A_317 : vector<1xf32> to vector<1x1x1xf32>
    %reduce_max3A_319 = vector.extract %reduce_max3A_318[0, 0, 0] : f32 from vector<1x1x1xf32>
    %broadcast_in_dim3A_320 = vector.broadcast %reduce_max3A_319 : f32 to vector<1x1xf32>
    %eq3A_321 = vector.broadcast %broadcast_in_dim3A_320 : vector<1x1xf32> to vector<1x36xf32>
    %eq3A_322 = arith.cmpf oeq, %concatenate3A_313, %eq3A_321 : vector<1x36xf32>
    %jit3A_323 = arith.constant 0x4B000000 : f32
    %broadcast_in_dim3A_324 = vector.broadcast %jit3A_323 : f32 to vector<1x36xf32>
    %select_n3A_325 = arith.select %eq3A_322, %convert_element_type3A, %broadcast_in_dim3A_324 : vector<1x36xi1>, vector<1x36xf32>
    %reduce_min3A = vector.shape_cast %select_n3A_325 : vector<1x36xf32> to vector<1x1x36xf32>
    %reduce_min3A_326 = arith.constant dense<0x7F800000> : vector<1xf32>
    %reduce_min3A_327 = vector.multi_reduction <minimumf>, %reduce_min3A, %reduce_min3A_326 [1, 2] : vector<1x1x36xf32> to vector<1xf32>
    %reduce_min3A_328 = vector.shape_cast %reduce_min3A_327 : vector<1xf32> to vector<1x1x1xf32>
    %reduce_min3A_329 = vector.extract %reduce_min3A_328[0, 0, 0] : f32 from vector<1x1x1xf32>
    %broadcast_in_dim3A_330 = vector.broadcast %reduce_min3A_329 : f32 to vector<1x1xf32>
    %eq3A_331 = vector.broadcast %broadcast_in_dim3A_330 : vector<1x1xf32> to vector<1x36xf32>
    %eq3A_332 = arith.cmpf oeq, %convert_element_type3A, %eq3A_331 : vector<1x36xf32>
    %jit3A_333 = arith.constant 0xFF800000 : f32
    %broadcast_in_dim3A_334 = vector.broadcast %jit3A_333 : f32 to vector<1x36xf32>
    %select_n3A_335 = arith.select %eq3A_332, %broadcast_in_dim3A_334, %concatenate3A_313 : vector<1x36xi1>, vector<1x36xf32>
    %reduce_max3A_336 = vector.shape_cast %select_n3A_335 : vector<1x36xf32> to vector<1x1x36xf32>
    %reduce_max3A_337 = arith.constant dense<0xFF800000> : vector<1xf32>
    %reduce_max3A_338 = vector.multi_reduction <maximumf>, %reduce_max3A_336, %reduce_max3A_337 [1, 2] : vector<1x1x36xf32> to vector<1xf32>
    %reduce_max3A_339 = vector.shape_cast %reduce_max3A_338 : vector<1xf32> to vector<1x1x1xf32>
    %reduce_max3A_340 = vector.extract %reduce_max3A_339[0, 0, 0] : f32 from vector<1x1x1xf32>
    %broadcast_in_dim3A_341 = vector.broadcast %reduce_max3A_340 : f32 to vector<1x1xf32>
    %eq3A_342 = vector.broadcast %broadcast_in_dim3A_341 : vector<1x1xf32> to vector<1x36xf32>
    %eq3A_343 = arith.cmpf oeq, %select_n3A_335, %eq3A_342 : vector<1x36xf32>
    %jit3A_344 = arith.constant 0x4B000000 : f32
    %broadcast_in_dim3A_345 = vector.broadcast %jit3A_344 : f32 to vector<1x36xf32>
    %select_n3A_346 = arith.select %eq3A_343, %convert_element_type3A, %broadcast_in_dim3A_345 : vector<1x36xi1>, vector<1x36xf32>
    %reduce_min3A_347 = vector.shape_cast %select_n3A_346 : vector<1x36xf32> to vector<1x1x36xf32>
    %reduce_min3A_348 = arith.constant dense<0x7F800000> : vector<1xf32>
    %reduce_min3A_349 = vector.multi_reduction <minimumf>, %reduce_min3A_347, %reduce_min3A_348 [1, 2] : vector<1x1x36xf32> to vector<1xf32>
    %reduce_min3A_350 = vector.shape_cast %reduce_min3A_349 : vector<1xf32> to vector<1x1x1xf32>
    %reduce_min3A_351 = vector.extract %reduce_min3A_350[0, 0, 0] : f32 from vector<1x1x1xf32>
    %broadcast_in_dim3A_352 = vector.broadcast %reduce_min3A_351 : f32 to vector<1x1xf32>
    %eq3A_353 = vector.broadcast %broadcast_in_dim3A_352 : vector<1x1xf32> to vector<1x36xf32>
    %eq3A_354 = arith.cmpf oeq, %convert_element_type3A, %eq3A_353 : vector<1x36xf32>
    %jit3A_355 = arith.constant 0xFF800000 : f32
    %broadcast_in_dim3A_356 = vector.broadcast %jit3A_355 : f32 to vector<1x36xf32>
    %select_n3A_357 = arith.select %eq3A_354, %broadcast_in_dim3A_356, %select_n3A_335 : vector<1x36xi1>, vector<1x36xf32>
    %reduce_max3A_358 = vector.shape_cast %select_n3A_357 : vector<1x36xf32> to vector<1x1x36xf32>
    %reduce_max3A_359 = arith.constant dense<0xFF800000> : vector<1xf32>
    %reduce_max3A_360 = vector.multi_reduction <maximumf>, %reduce_max3A_358, %reduce_max3A_359 [1, 2] : vector<1x1x36xf32> to vector<1xf32>
    %reduce_max3A_361 = vector.shape_cast %reduce_max3A_360 : vector<1xf32> to vector<1x1x1xf32>
    %reduce_max3A_362 = vector.extract %reduce_max3A_361[0, 0, 0] : f32 from vector<1x1x1xf32>
    %broadcast_in_dim3A_363 = vector.broadcast %reduce_max3A_362 : f32 to vector<1x1xf32>
    %eq3A_364 = vector.broadcast %broadcast_in_dim3A_363 : vector<1x1xf32> to vector<1x36xf32>
    %eq3A_365 = arith.cmpf oeq, %select_n3A_357, %eq3A_364 : vector<1x36xf32>
    %jit3A_366 = arith.constant 0x4B000000 : f32
    %broadcast_in_dim3A_367 = vector.broadcast %jit3A_366 : f32 to vector<1x36xf32>
    %select_n3A_368 = arith.select %eq3A_365, %convert_element_type3A, %broadcast_in_dim3A_367 : vector<1x36xi1>, vector<1x36xf32>
    %reduce_min3A_369 = vector.shape_cast %select_n3A_368 : vector<1x36xf32> to vector<1x1x36xf32>
    %reduce_min3A_370 = arith.constant dense<0x7F800000> : vector<1xf32>
    %reduce_min3A_371 = vector.multi_reduction <minimumf>, %reduce_min3A_369, %reduce_min3A_370 [1, 2] : vector<1x1x36xf32> to vector<1xf32>
    %reduce_min3A_372 = vector.shape_cast %reduce_min3A_371 : vector<1xf32> to vector<1x1x1xf32>
    %reduce_min3A_373 = vector.extract %reduce_min3A_372[0, 0, 0] : f32 from vector<1x1x1xf32>
    %broadcast_in_dim3A_374 = vector.broadcast %reduce_min3A_373 : f32 to vector<1x1xf32>
    %eq3A_375 = vector.broadcast %broadcast_in_dim3A_374 : vector<1x1xf32> to vector<1x36xf32>
    %eq3A_376 = arith.cmpf oeq, %convert_element_type3A, %eq3A_375 : vector<1x36xf32>
    %jit3A_377 = arith.constant 0xFF800000 : f32
    %broadcast_in_dim3A_378 = vector.broadcast %jit3A_377 : f32 to vector<1x36xf32>
    %select_n3A_379 = arith.select %eq3A_376, %broadcast_in_dim3A_378, %select_n3A_357 : vector<1x36xi1>, vector<1x36xf32>
    %reduce_max3A_380 = vector.shape_cast %select_n3A_379 : vector<1x36xf32> to vector<1x1x36xf32>
    %reduce_max3A_381 = arith.constant dense<0xFF800000> : vector<1xf32>
    %reduce_max3A_382 = vector.multi_reduction <maximumf>, %reduce_max3A_380, %reduce_max3A_381 [1, 2] : vector<1x1x36xf32> to vector<1xf32>
    %reduce_max3A_383 = vector.shape_cast %reduce_max3A_382 : vector<1xf32> to vector<1x1x1xf32>
    %reduce_max3A_384 = vector.extract %reduce_max3A_383[0, 0, 0] : f32 from vector<1x1x1xf32>
    %broadcast_in_dim3A_385 = vector.broadcast %reduce_max3A_384 : f32 to vector<1x1xf32>
    %eq3A_386 = vector.broadcast %broadcast_in_dim3A_385 : vector<1x1xf32> to vector<1x36xf32>
    %eq3A_387 = arith.cmpf oeq, %select_n3A_379, %eq3A_386 : vector<1x36xf32>
    %jit3A_388 = arith.constant 0x4B000000 : f32
    %broadcast_in_dim3A_389 = vector.broadcast %jit3A_388 : f32 to vector<1x36xf32>
    %select_n3A_390 = arith.select %eq3A_387, %convert_element_type3A, %broadcast_in_dim3A_389 : vector<1x36xi1>, vector<1x36xf32>
    %reduce_min3A_391 = vector.shape_cast %select_n3A_390 : vector<1x36xf32> to vector<1x1x36xf32>
    %reduce_min3A_392 = arith.constant dense<0x7F800000> : vector<1xf32>
    %reduce_min3A_393 = vector.multi_reduction <minimumf>, %reduce_min3A_391, %reduce_min3A_392 [1, 2] : vector<1x1x36xf32> to vector<1xf32>
    %reduce_min3A_394 = vector.shape_cast %reduce_min3A_393 : vector<1xf32> to vector<1x1x1xf32>
    %reduce_min3A_395 = vector.extract %reduce_min3A_394[0, 0, 0] : f32 from vector<1x1x1xf32>
    %broadcast_in_dim3A_396 = vector.broadcast %reduce_min3A_395 : f32 to vector<1x1xf32>
    %concatenate3A_397 = tpu.concatenate %broadcast_in_dim3A_320, %broadcast_in_dim3A_341, %broadcast_in_dim3A_363, %broadcast_in_dim3A_385 in 0 : vector<1x1xf32>, vector<1x1xf32>, vector<1x1xf32>, vector<1x1xf32> -> vector<4x1xf32>
    %squeeze3A = vector.extract %broadcast_in_dim3A_330[0, 0] : f32 from vector<1x1xf32>
    %convert_element_type3A_398 = arith.fptosi %squeeze3A : f32 to i32
    %shift_right_logical3A = arith.constant 10 : i32
    %shift_right_logical3A_399 = arith.shrui %convert_element_type3A_398, %shift_right_logical3A : i32
    %and3A_400 = arith.constant 1023 : i32
    %and3A_401 = arith.andi %convert_element_type3A_398, %and3A_400 : i32
    %swap3A = arith.constant 0 : index
    %swap3A_402 = memref.load %arg11[%swap3A] : memref<4xi32, #tpu.memory_space<smem>>
    memref.store %shift_right_logical3A_399, %arg11[%swap3A] : memref<4xi32, #tpu.memory_space<smem>>
    %swap3A_403 = arith.constant 0 : index
    %swap3A_404 = memref.load %arg12[%swap3A_403] : memref<4xi32, #tpu.memory_space<smem>>
    memref.store %and3A_401, %arg12[%swap3A_403] : memref<4xi32, #tpu.memory_space<smem>>
    %squeeze3A_405 = vector.extract %broadcast_in_dim3A_352[0, 0] : f32 from vector<1x1xf32>
    %convert_element_type3A_406 = arith.fptosi %squeeze3A_405 : f32 to i32
    %shift_right_logical3A_407 = arith.constant 10 : i32
    %shift_right_logical3A_408 = arith.shrui %convert_element_type3A_406, %shift_right_logical3A_407 : i32
    %and3A_409 = arith.constant 1023 : i32
    %and3A_410 = arith.andi %convert_element_type3A_406, %and3A_409 : i32
    %swap3A_411 = arith.constant 1 : index
    %swap3A_412 = memref.load %arg11[%swap3A_411] : memref<4xi32, #tpu.memory_space<smem>>
    memref.store %shift_right_logical3A_408, %arg11[%swap3A_411] : memref<4xi32, #tpu.memory_space<smem>>
    %swap3A_413 = arith.constant 1 : index
    %swap3A_414 = memref.load %arg12[%swap3A_413] : memref<4xi32, #tpu.memory_space<smem>>
    memref.store %and3A_410, %arg12[%swap3A_413] : memref<4xi32, #tpu.memory_space<smem>>
    %squeeze3A_415 = vector.extract %broadcast_in_dim3A_374[0, 0] : f32 from vector<1x1xf32>
    %convert_element_type3A_416 = arith.fptosi %squeeze3A_415 : f32 to i32
    %shift_right_logical3A_417 = arith.constant 10 : i32
    %shift_right_logical3A_418 = arith.shrui %convert_element_type3A_416, %shift_right_logical3A_417 : i32
    %and3A_419 = arith.constant 1023 : i32
    %and3A_420 = arith.andi %convert_element_type3A_416, %and3A_419 : i32
    %swap3A_421 = arith.constant 2 : index
    %swap3A_422 = memref.load %arg11[%swap3A_421] : memref<4xi32, #tpu.memory_space<smem>>
    memref.store %shift_right_logical3A_418, %arg11[%swap3A_421] : memref<4xi32, #tpu.memory_space<smem>>
    %swap3A_423 = arith.constant 2 : index
    %swap3A_424 = memref.load %arg12[%swap3A_423] : memref<4xi32, #tpu.memory_space<smem>>
    memref.store %and3A_420, %arg12[%swap3A_423] : memref<4xi32, #tpu.memory_space<smem>>
    %squeeze3A_425 = vector.extract %broadcast_in_dim3A_396[0, 0] : f32 from vector<1x1xf32>
    %convert_element_type3A_426 = arith.fptosi %squeeze3A_425 : f32 to i32
    %shift_right_logical3A_427 = arith.constant 10 : i32
    %shift_right_logical3A_428 = arith.shrui %convert_element_type3A_426, %shift_right_logical3A_427 : i32
    %and3A_429 = arith.constant 1023 : i32
    %and3A_430 = arith.andi %convert_element_type3A_426, %and3A_429 : i32
    %swap3A_431 = arith.constant 3 : index
    %swap3A_432 = memref.load %arg11[%swap3A_431] : memref<4xi32, #tpu.memory_space<smem>>
    memref.store %shift_right_logical3A_428, %arg11[%swap3A_431] : memref<4xi32, #tpu.memory_space<smem>>
    %swap3A_433 = arith.constant 3 : index
    %swap3A_434 = memref.load %arg12[%swap3A_433] : memref<4xi32, #tpu.memory_space<smem>>
    memref.store %and3A_430, %arg12[%swap3A_433] : memref<4xi32, #tpu.memory_space<smem>>
    %scan3A = arith.constant 1 : i32
    %scan3A_435 = arith.constant 255 : i32
    %scan3A_436 = arith.addi %scan3A, %scan3A_435 : i32
    %scan3A_437 = arith.constant 1 : i32
    %scan3A_438:9 = scf.for %scan3A_457 = %scan3A to %scan3A_436 step %scan3A_437 iter_args(%scan3A_458 = %shift_right_logical3A_399, %scan3A_459 = %and3A_401, %scan3A_460 = %shift_right_logical3A_408, %scan3A_461 = %and3A_410, %scan3A_462 = %shift_right_logical3A_418, %scan3A_463 = %and3A_420, %scan3A_464 = %shift_right_logical3A_428, %scan3A_465 = %and3A_430, %scan3A_466 = %concatenate3A_397) -> (i32, i32, i32, i32, i32, i32, i32, i32, vector<4x1xf32>)  : i32 {
      %get3A_467 = arith.index_cast %scan3A_457 : i32 to index
      %get3A_468 = arith.constant 0 : index
      %get3A_469 = memref.load %arg0[%get3A_467, %get3A_468] : memref<256x1xi32, #tpu.memory_space<smem>>
      %get3A_470 = arith.index_cast %scan3A_458 : i32 to index
      %get3A_471 = arith.constant 0 : index
      %get3A_472 = vector.load %arg1[%get3A_470, %get3A_471] : memref<1024x1024xf32, #tpu.memory_space<vmem>>, vector<1x1024xf32>
      %swap3A_473 = arith.constant 0 : index
      %swap3A_474 = arith.constant 0 : index
      %swap3A_475 = vector.load %arg6[%swap3A_473, %swap3A_474] : memref<8x1024xf32, #tpu.memory_space<vmem>>, vector<1x1024xf32>
      tpu.vector_store %arg6[%swap3A_473, %swap3A_474], %get3A_472 {strides = array<i32>} : memref<8x1024xf32, #tpu.memory_space<vmem>>, vector<1x1024xf32>,
      %get3A_476 = arith.index_cast %scan3A_460 : i32 to index
      %get3A_477 = arith.constant 0 : index
      %get3A_478 = vector.load %arg1[%get3A_476, %get3A_477] : memref<1024x1024xf32, #tpu.memory_space<vmem>>, vector<1x1024xf32>
      %swap3A_479 = arith.constant 1 : index
      %swap3A_480 = arith.constant 0 : index
      %swap3A_481 = vector.load %arg6[%swap3A_479, %swap3A_480] : memref<8x1024xf32, #tpu.memory_space<vmem>>, vector<1x1024xf32>
      tpu.vector_store %arg6[%swap3A_479, %swap3A_480], %get3A_478 {strides = array<i32>} : memref<8x1024xf32, #tpu.memory_space<vmem>>, vector<1x1024xf32>,
      %get3A_482 = arith.index_cast %scan3A_462 : i32 to index
      %get3A_483 = arith.constant 0 : index
      %get3A_484 = vector.load %arg1[%get3A_482, %get3A_483] : memref<1024x1024xf32, #tpu.memory_space<vmem>>, vector<1x1024xf32>
      %swap3A_485 = arith.constant 2 : index
      %swap3A_486 = arith.constant 0 : index
      %swap3A_487 = vector.load %arg6[%swap3A_485, %swap3A_486] : memref<8x1024xf32, #tpu.memory_space<vmem>>, vector<1x1024xf32>
      tpu.vector_store %arg6[%swap3A_485, %swap3A_486], %get3A_484 {strides = array<i32>} : memref<8x1024xf32, #tpu.memory_space<vmem>>, vector<1x1024xf32>,
      %get3A_488 = arith.index_cast %scan3A_464 : i32 to index
      %get3A_489 = arith.constant 0 : index
      %get3A_490 = vector.load %arg1[%get3A_488, %get3A_489] : memref<1024x1024xf32, #tpu.memory_space<vmem>>, vector<1x1024xf32>
      %swap3A_491 = arith.constant 3 : index
      %swap3A_492 = arith.constant 0 : index
      %swap3A_493 = vector.load %arg6[%swap3A_491, %swap3A_492] : memref<8x1024xf32, #tpu.memory_space<vmem>>, vector<1x1024xf32>
      tpu.vector_store %arg6[%swap3A_491, %swap3A_492], %get3A_490 {strides = array<i32>} : memref<8x1024xf32, #tpu.memory_space<vmem>>, vector<1x1024xf32>,
      %get3A_494 = arith.index_cast %scan3A_459 : i32 to index
      %get3A_495 = arith.constant 0 : index
      %get3A_496 = vector.load %arg2[%get3A_494, %get3A_495] : memref<1024x1024xf32, #tpu.memory_space<vmem>>, vector<1x1024xf32>
      %swap3A_497 = arith.constant 4 : index
      %swap3A_498 = arith.constant 0 : index
      %swap3A_499 = vector.load %arg6[%swap3A_497, %swap3A_498] : memref<8x1024xf32, #tpu.memory_space<vmem>>, vector<1x1024xf32>
      tpu.vector_store %arg6[%swap3A_497, %swap3A_498], %get3A_496 {strides = array<i32>} : memref<8x1024xf32, #tpu.memory_space<vmem>>, vector<1x1024xf32>,
      %get3A_500 = arith.index_cast %scan3A_461 : i32 to index
      %get3A_501 = arith.constant 0 : index
      %get3A_502 = vector.load %arg2[%get3A_500, %get3A_501] : memref<1024x1024xf32, #tpu.memory_space<vmem>>, vector<1x1024xf32>
      %swap3A_503 = arith.constant 5 : index
      %swap3A_504 = arith.constant 0 : index
      %swap3A_505 = vector.load %arg6[%swap3A_503, %swap3A_504] : memref<8x1024xf32, #tpu.memory_space<vmem>>, vector<1x1024xf32>
      tpu.vector_store %arg6[%swap3A_503, %swap3A_504], %get3A_502 {strides = array<i32>} : memref<8x1024xf32, #tpu.memory_space<vmem>>, vector<1x1024xf32>,
      %get3A_506 = arith.index_cast %scan3A_463 : i32 to index
      %get3A_507 = arith.constant 0 : index
      %get3A_508 = vector.load %arg2[%get3A_506, %get3A_507] : memref<1024x1024xf32, #tpu.memory_space<vmem>>, vector<1x1024xf32>
      %swap3A_509 = arith.constant 6 : index
      %swap3A_510 = arith.constant 0 : index
      %swap3A_511 = vector.load %arg6[%swap3A_509, %swap3A_510] : memref<8x1024xf32, #tpu.memory_space<vmem>>, vector<1x1024xf32>
      tpu.vector_store %arg6[%swap3A_509, %swap3A_510], %get3A_508 {strides = array<i32>} : memref<8x1024xf32, #tpu.memory_space<vmem>>, vector<1x1024xf32>,
      %get3A_512 = arith.index_cast %scan3A_465 : i32 to index
      %get3A_513 = arith.constant 0 : index
      %get3A_514 = vector.load %arg2[%get3A_512, %get3A_513] : memref<1024x1024xf32, #tpu.memory_space<vmem>>, vector<1x1024xf32>
      %swap3A_515 = arith.constant 7 : index
      %swap3A_516 = arith.constant 0 : index
      %swap3A_517 = vector.load %arg6[%swap3A_515, %swap3A_516] : memref<8x1024xf32, #tpu.memory_space<vmem>>, vector<1x1024xf32>
      tpu.vector_store %arg6[%swap3A_515, %swap3A_516], %get3A_514 {strides = array<i32>} : memref<8x1024xf32, #tpu.memory_space<vmem>>, vector<1x1024xf32>,
      %get3A_518 = arith.index_cast %get3A_469 : i32 to index
      %get3A_519 = arith.constant 0 : index
      %get3A_520 = vector.load %arg3[%get3A_518, %get3A_519] : memref<1024x1024xf32, #tpu.memory_space<vmem>>, vector<1x1024xf32>
      %get3A_521 = arith.index_cast %get3A_469 : i32 to index
      %get3A_522 = arith.constant 0 : index
      %get3A_523 = vector.load %arg4[%get3A_521, %get3A_522] : memref<1024x1024xf32, #tpu.memory_space<vmem>>, vector<1x1024xf32>
      %swap3A_524 = arith.constant 0 : index
      %swap3A_525 = arith.constant 0 : index
      %swap3A_526 = vector.load %arg7[%swap3A_524, %swap3A_525] : memref<8x1024xf32, #tpu.memory_space<vmem>>, vector<1x1024xf32>
      tpu.vector_store %arg7[%swap3A_524, %swap3A_525], %get3A_520 {strides = array<i32>} : memref<8x1024xf32, #tpu.memory_space<vmem>>, vector<1x1024xf32>,
      %swap3A_527 = arith.constant 1 : index
      %swap3A_528 = arith.constant 0 : index
      %swap3A_529 = vector.load %arg7[%swap3A_527, %swap3A_528] : memref<8x1024xf32, #tpu.memory_space<vmem>>, vector<1x1024xf32>
      tpu.vector_store %arg7[%swap3A_527, %swap3A_528], %get3A_520 {strides = array<i32>} : memref<8x1024xf32, #tpu.memory_space<vmem>>, vector<1x1024xf32>,
      %swap3A_530 = arith.constant 2 : index
      %swap3A_531 = arith.constant 0 : index
      %swap3A_532 = vector.load %arg7[%swap3A_530, %swap3A_531] : memref<8x1024xf32, #tpu.memory_space<vmem>>, vector<1x1024xf32>
      tpu.vector_store %arg7[%swap3A_530, %swap3A_531], %get3A_520 {strides = array<i32>} : memref<8x1024xf32, #tpu.memory_space<vmem>>, vector<1x1024xf32>,
      %swap3A_533 = arith.constant 3 : index
      %swap3A_534 = arith.constant 0 : index
      %swap3A_535 = vector.load %arg7[%swap3A_533, %swap3A_534] : memref<8x1024xf32, #tpu.memory_space<vmem>>, vector<1x1024xf32>
      tpu.vector_store %arg7[%swap3A_533, %swap3A_534], %get3A_520 {strides = array<i32>} : memref<8x1024xf32, #tpu.memory_space<vmem>>, vector<1x1024xf32>,
      %swap3A_536 = arith.constant 4 : index
      %swap3A_537 = arith.constant 0 : index
      %swap3A_538 = vector.load %arg7[%swap3A_536, %swap3A_537] : memref<8x1024xf32, #tpu.memory_space<vmem>>, vector<1x1024xf32>
      tpu.vector_store %arg7[%swap3A_536, %swap3A_537], %get3A_523 {strides = array<i32>} : memref<8x1024xf32, #tpu.memory_space<vmem>>, vector<1x1024xf32>,
      %swap3A_539 = arith.constant 5 : index
      %swap3A_540 = arith.constant 0 : index
      %swap3A_541 = vector.load %arg7[%swap3A_539, %swap3A_540] : memref<8x1024xf32, #tpu.memory_space<vmem>>, vector<1x1024xf32>
      tpu.vector_store %arg7[%swap3A_539, %swap3A_540], %get3A_523 {strides = array<i32>} : memref<8x1024xf32, #tpu.memory_space<vmem>>, vector<1x1024xf32>,
      %swap3A_542 = arith.constant 6 : index
      %swap3A_543 = arith.constant 0 : index
      %swap3A_544 = vector.load %arg7[%swap3A_542, %swap3A_543] : memref<8x1024xf32, #tpu.memory_space<vmem>>, vector<1x1024xf32>
      tpu.vector_store %arg7[%swap3A_542, %swap3A_543], %get3A_523 {strides = array<i32>} : memref<8x1024xf32, #tpu.memory_space<vmem>>, vector<1x1024xf32>,
      %swap3A_545 = arith.constant 7 : index
      %swap3A_546 = arith.constant 0 : index
      %swap3A_547 = vector.load %arg7[%swap3A_545, %swap3A_546] : memref<8x1024xf32, #tpu.memory_space<vmem>>, vector<1x1024xf32>
      tpu.vector_store %arg7[%swap3A_545, %swap3A_546], %get3A_523 {strides = array<i32>} : memref<8x1024xf32, #tpu.memory_space<vmem>>, vector<1x1024xf32>,
      %get3A_548 = arith.constant 0 : index
      %get3A_549 = arith.constant 0 : index
      %get3A_550 = vector.load %arg6[%get3A_548, %get3A_549] : memref<8x1024xf32, #tpu.memory_space<vmem>>, vector<8x1024xf32>
      %get3A_551 = arith.constant 0 : index
      %get3A_552 = arith.constant 0 : index
      %get3A_553 = vector.load %arg7[%get3A_551, %get3A_552] : memref<8x1024xf32, #tpu.memory_space<vmem>>, vector<8x1024xf32>
      %add3A_554 = arith.addf %get3A_550, %get3A_553 : vector<8x1024xf32>
      %bitcast_convert_type3A_555 = tpu.bitcast %add3A_554 : vector<8x1024xf32> -> vector<8x1024xi32>
      %shift_right_arithmetic3A_556 = arith.constant 31 : i32
      %shift_right_arithmetic3A_557 = vector.broadcast %shift_right_arithmetic3A_556 : i32 to vector<8x1024xi32>
      %shift_right_arithmetic3A_558 = arith.shrsi %bitcast_convert_type3A_555, %shift_right_arithmetic3A_557 : vector<8x1024xi32>
      %or3A_559 = arith.constant -2147483648 : i32
      %or3A_560 = vector.broadcast %or3A_559 : i32 to vector<8x1024xi32>
      %or3A_561 = arith.ori %shift_right_arithmetic3A_558, %or3A_560 : vector<8x1024xi32>
      %xor3A_562 = arith.xori %bitcast_convert_type3A_555, %or3A_561 : vector<8x1024xi32>
      %iota3A_563 = tpu.iota {dimensions = array<i32: 1>} : vector<8x1024xi32>
      %and3A_564 = arith.constant -1024 : i32
      %and3A_565 = vector.broadcast %and3A_564 : i32 to vector<8x1024xi32>
      %and3A_566 = arith.andi %xor3A_562, %and3A_565 : vector<8x1024xi32>
      %sub3A_567 = arith.constant 1023 : i32
      %sub3A_568 = vector.broadcast %sub3A_567 : i32 to vector<8x1024xi32>
      %sub3A_569 = arith.subi %sub3A_568, %iota3A_563 : vector<8x1024xi32>
      %or3A_570 = arith.ori %and3A_566, %sub3A_569 : vector<8x1024xi32>
      %shift_right_arithmetic3A_571 = arith.constant 31 : i32
      %shift_right_arithmetic3A_572 = vector.broadcast %shift_right_arithmetic3A_571 : i32 to vector<8x1024xi32>
      %shift_right_arithmetic3A_573 = arith.shrsi %or3A_570, %shift_right_arithmetic3A_572 : vector<8x1024xi32>
      %not3A_574 = arith.constant dense<-1> : vector<8x1024xi32>
      %not3A_575 = arith.xori %shift_right_arithmetic3A_573, %not3A_574 : vector<8x1024xi32>
      %or3A_576 = arith.constant -2147483648 : i32
      %or3A_577 = vector.broadcast %or3A_576 : i32 to vector<8x1024xi32>
      %or3A_578 = arith.ori %not3A_575, %or3A_577 : vector<8x1024xi32>
      %xor3A_579 = arith.xori %or3A_570, %or3A_578 : vector<8x1024xi32>
      %bitcast_convert_type3A_580 = tpu.bitcast %xor3A_579 : vector<8x1024xi32> -> vector<8x1024xf32>
      %reduce_max3A_581 = arith.constant dense<0xFF800000> : vector<8xf32>
      %reduce_max3A_582 = vector.multi_reduction <maximumf>, %bitcast_convert_type3A_580, %reduce_max3A_581 [1] : vector<8x1024xf32> to vector<8xf32>
      %broadcast_in_dim3A_583 = vector.shape_cast %reduce_max3A_582 : vector<8xf32> to vector<8x1xf32>
      %eq3A_584 = vector.broadcast %broadcast_in_dim3A_583 : vector<8x1xf32> to vector<8x1024xf32>
      %eq3A_585 = arith.cmpf oeq, %bitcast_convert_type3A_580, %eq3A_584 : vector<8x1024xf32>
      %bitcast_convert_type3A_586 = tpu.bitcast %broadcast_in_dim3A_583 : vector<8x1xf32> -> vector<8x1xi32>
      %shift_right_arithmetic3A_587 = arith.constant 31 : i32
      %shift_right_arithmetic3A_588 = vector.broadcast %shift_right_arithmetic3A_587 : i32 to vector<8x1xi32>
      %shift_right_arithmetic3A_589 = arith.shrsi %bitcast_convert_type3A_586, %shift_right_arithmetic3A_588 : vector<8x1xi32>
      %or3A_590 = arith.constant -2147483648 : i32
      %or3A_591 = vector.broadcast %or3A_590 : i32 to vector<8x1xi32>
      %or3A_592 = arith.ori %shift_right_arithmetic3A_589, %or3A_591 : vector<8x1xi32>
      %xor3A_593 = arith.xori %bitcast_convert_type3A_586, %or3A_592 : vector<8x1xi32>
      %and3A_594 = arith.constant 1023 : i32
      %and3A_595 = vector.broadcast %and3A_594 : i32 to vector<8x1xi32>
      %and3A_596 = arith.andi %xor3A_593, %and3A_595 : vector<8x1xi32>
      %sub3A_597 = arith.constant 1023 : i32
      %sub3A_598 = vector.broadcast %sub3A_597 : i32 to vector<8x1xi32>
      %sub3A_599 = arith.subi %sub3A_598, %and3A_596 : vector<8x1xi32>
      %jit3A_600 = arith.constant 0xFF800000 : f32
      %broadcast_in_dim3A_601 = vector.broadcast %jit3A_600 : f32 to vector<8x1024xf32>
      %select_n3A_602 = arith.select %eq3A_585, %broadcast_in_dim3A_601, %bitcast_convert_type3A_580 : vector<8x1024xi1>, vector<8x1024xf32>
      %reduce_max3A_603 = arith.constant dense<0xFF800000> : vector<8xf32>
      %reduce_max3A_604 = vector.multi_reduction <maximumf>, %select_n3A_602, %reduce_max3A_603 [1] : vector<8x1024xf32> to vector<8xf32>
      %broadcast_in_dim3A_605 = vector.shape_cast %reduce_max3A_604 : vector<8xf32> to vector<8x1xf32>
      %eq3A_606 = vector.broadcast %broadcast_in_dim3A_605 : vector<8x1xf32> to vector<8x1024xf32>
      %eq3A_607 = arith.cmpf oeq, %select_n3A_602, %eq3A_606 : vector<8x1024xf32>
      %bitcast_convert_type3A_608 = tpu.bitcast %broadcast_in_dim3A_605 : vector<8x1xf32> -> vector<8x1xi32>
      %shift_right_arithmetic3A_609 = arith.constant 31 : i32
      %shift_right_arithmetic3A_610 = vector.broadcast %shift_right_arithmetic3A_609 : i32 to vector<8x1xi32>
      %shift_right_arithmetic3A_611 = arith.shrsi %bitcast_convert_type3A_608, %shift_right_arithmetic3A_610 : vector<8x1xi32>
      %or3A_612 = arith.constant -2147483648 : i32
      %or3A_613 = vector.broadcast %or3A_612 : i32 to vector<8x1xi32>
      %or3A_614 = arith.ori %shift_right_arithmetic3A_611, %or3A_613 : vector<8x1xi32>
      %xor3A_615 = arith.xori %bitcast_convert_type3A_608, %or3A_614 : vector<8x1xi32>
      %and3A_616 = arith.constant 1023 : i32
      %and3A_617 = vector.broadcast %and3A_616 : i32 to vector<8x1xi32>
      %and3A_618 = arith.andi %xor3A_615, %and3A_617 : vector<8x1xi32>
      %sub3A_619 = arith.constant 1023 : i32
      %sub3A_620 = vector.broadcast %sub3A_619 : i32 to vector<8x1xi32>
      %sub3A_621 = arith.subi %sub3A_620, %and3A_618 : vector<8x1xi32>
      %jit3A_622 = arith.constant 0xFF800000 : f32
      %broadcast_in_dim3A_623 = vector.broadcast %jit3A_622 : f32 to vector<8x1024xf32>
      %select_n3A_624 = arith.select %eq3A_607, %broadcast_in_dim3A_623, %select_n3A_602 : vector<8x1024xi1>, vector<8x1024xf32>
      %reduce_max3A_625 = arith.constant dense<0xFF800000> : vector<8xf32>
      %reduce_max3A_626 = vector.multi_reduction <maximumf>, %select_n3A_624, %reduce_max3A_625 [1] : vector<8x1024xf32> to vector<8xf32>
      %broadcast_in_dim3A_627 = vector.shape_cast %reduce_max3A_626 : vector<8xf32> to vector<8x1xf32>
      %eq3A_628 = vector.broadcast %broadcast_in_dim3A_627 : vector<8x1xf32> to vector<8x1024xf32>
      %eq3A_629 = arith.cmpf oeq, %select_n3A_624, %eq3A_628 : vector<8x1024xf32>
      %bitcast_convert_type3A_630 = tpu.bitcast %broadcast_in_dim3A_627 : vector<8x1xf32> -> vector<8x1xi32>
      %shift_right_arithmetic3A_631 = arith.constant 31 : i32
      %shift_right_arithmetic3A_632 = vector.broadcast %shift_right_arithmetic3A_631 : i32 to vector<8x1xi32>
      %shift_right_arithmetic3A_633 = arith.shrsi %bitcast_convert_type3A_630, %shift_right_arithmetic3A_632 : vector<8x1xi32>
      %or3A_634 = arith.constant -2147483648 : i32
      %or3A_635 = vector.broadcast %or3A_634 : i32 to vector<8x1xi32>
      %or3A_636 = arith.ori %shift_right_arithmetic3A_633, %or3A_635 : vector<8x1xi32>
      %xor3A_637 = arith.xori %bitcast_convert_type3A_630, %or3A_636 : vector<8x1xi32>
      %and3A_638 = arith.constant 1023 : i32
      %and3A_639 = vector.broadcast %and3A_638 : i32 to vector<8x1xi32>
      %and3A_640 = arith.andi %xor3A_637, %and3A_639 : vector<8x1xi32>
      %sub3A_641 = arith.constant 1023 : i32
      %sub3A_642 = vector.broadcast %sub3A_641 : i32 to vector<8x1xi32>
      %sub3A_643 = arith.subi %sub3A_642, %and3A_640 : vector<8x1xi32>
      %jit3A_644 = arith.constant 0xFF800000 : f32
      %broadcast_in_dim3A_645 = vector.broadcast %jit3A_644 : f32 to vector<8x1024xf32>
      %select_n3A_646 = arith.select %eq3A_629, %broadcast_in_dim3A_645, %select_n3A_624 : vector<8x1024xi1>, vector<8x1024xf32>
      %reduce_max3A_647 = arith.constant dense<0xFF800000> : vector<8xf32>
      %reduce_max3A_648 = vector.multi_reduction <maximumf>, %select_n3A_646, %reduce_max3A_647 [1] : vector<8x1024xf32> to vector<8xf32>
      %broadcast_in_dim3A_649 = vector.shape_cast %reduce_max3A_648 : vector<8xf32> to vector<8x1xf32>
      %eq3A_650 = vector.broadcast %broadcast_in_dim3A_649 : vector<8x1xf32> to vector<8x1024xf32>
      %eq3A_651 = arith.cmpf oeq, %select_n3A_646, %eq3A_650 : vector<8x1024xf32>
      %bitcast_convert_type3A_652 = tpu.bitcast %broadcast_in_dim3A_649 : vector<8x1xf32> -> vector<8x1xi32>
      %shift_right_arithmetic3A_653 = arith.constant 31 : i32
      %shift_right_arithmetic3A_654 = vector.broadcast %shift_right_arithmetic3A_653 : i32 to vector<8x1xi32>
      %shift_right_arithmetic3A_655 = arith.shrsi %bitcast_convert_type3A_652, %shift_right_arithmetic3A_654 : vector<8x1xi32>
      %or3A_656 = arith.constant -2147483648 : i32
      %or3A_657 = vector.broadcast %or3A_656 : i32 to vector<8x1xi32>
      %or3A_658 = arith.ori %shift_right_arithmetic3A_655, %or3A_657 : vector<8x1xi32>
      %xor3A_659 = arith.xori %bitcast_convert_type3A_652, %or3A_658 : vector<8x1xi32>
      %and3A_660 = arith.constant 1023 : i32
      %and3A_661 = vector.broadcast %and3A_660 : i32 to vector<8x1xi32>
      %and3A_662 = arith.andi %xor3A_659, %and3A_661 : vector<8x1xi32>
      %sub3A_663 = arith.constant 1023 : i32
      %sub3A_664 = vector.broadcast %sub3A_663 : i32 to vector<8x1xi32>
      %sub3A_665 = arith.subi %sub3A_664, %and3A_662 : vector<8x1xi32>
      %jit3A_666 = arith.constant 0xFF800000 : f32
      %broadcast_in_dim3A_667 = vector.broadcast %jit3A_666 : f32 to vector<8x1024xf32>
      %select_n3A_668 = arith.select %eq3A_651, %broadcast_in_dim3A_667, %select_n3A_646 : vector<8x1024xi1>, vector<8x1024xf32>
      %reduce_max3A_669 = arith.constant dense<0xFF800000> : vector<8xf32>
      %reduce_max3A_670 = vector.multi_reduction <maximumf>, %select_n3A_668, %reduce_max3A_669 [1] : vector<8x1024xf32> to vector<8xf32>
      %broadcast_in_dim3A_671 = vector.shape_cast %reduce_max3A_670 : vector<8xf32> to vector<8x1xf32>
      %eq3A_672 = vector.broadcast %broadcast_in_dim3A_671 : vector<8x1xf32> to vector<8x1024xf32>
      %eq3A_673 = arith.cmpf oeq, %select_n3A_668, %eq3A_672 : vector<8x1024xf32>
      %bitcast_convert_type3A_674 = tpu.bitcast %broadcast_in_dim3A_671 : vector<8x1xf32> -> vector<8x1xi32>
      %shift_right_arithmetic3A_675 = arith.constant 31 : i32
      %shift_right_arithmetic3A_676 = vector.broadcast %shift_right_arithmetic3A_675 : i32 to vector<8x1xi32>
      %shift_right_arithmetic3A_677 = arith.shrsi %bitcast_convert_type3A_674, %shift_right_arithmetic3A_676 : vector<8x1xi32>
      %or3A_678 = arith.constant -2147483648 : i32
      %or3A_679 = vector.broadcast %or3A_678 : i32 to vector<8x1xi32>
      %or3A_680 = arith.ori %shift_right_arithmetic3A_677, %or3A_679 : vector<8x1xi32>
      %xor3A_681 = arith.xori %bitcast_convert_type3A_674, %or3A_680 : vector<8x1xi32>
      %and3A_682 = arith.constant 1023 : i32
      %and3A_683 = vector.broadcast %and3A_682 : i32 to vector<8x1xi32>
      %and3A_684 = arith.andi %xor3A_681, %and3A_683 : vector<8x1xi32>
      %sub3A_685 = arith.constant 1023 : i32
      %sub3A_686 = vector.broadcast %sub3A_685 : i32 to vector<8x1xi32>
      %sub3A_687 = arith.subi %sub3A_686, %and3A_684 : vector<8x1xi32>
      %jit3A_688 = arith.constant 0xFF800000 : f32
      %broadcast_in_dim3A_689 = vector.broadcast %jit3A_688 : f32 to vector<8x1024xf32>
      %select_n3A_690 = arith.select %eq3A_673, %broadcast_in_dim3A_689, %select_n3A_668 : vector<8x1024xi1>, vector<8x1024xf32>
      %reduce_max3A_691 = arith.constant dense<0xFF800000> : vector<8xf32>
      %reduce_max3A_692 = vector.multi_reduction <maximumf>, %select_n3A_690, %reduce_max3A_691 [1] : vector<8x1024xf32> to vector<8xf32>
      %broadcast_in_dim3A_693 = vector.shape_cast %reduce_max3A_692 : vector<8xf32> to vector<8x1xf32>
      %eq3A_694 = vector.broadcast %broadcast_in_dim3A_693 : vector<8x1xf32> to vector<8x1024xf32>
      %eq3A_695 = arith.cmpf oeq, %select_n3A_690, %eq3A_694 : vector<8x1024xf32>
      %bitcast_convert_type3A_696 = tpu.bitcast %broadcast_in_dim3A_693 : vector<8x1xf32> -> vector<8x1xi32>
      %shift_right_arithmetic3A_697 = arith.constant 31 : i32
      %shift_right_arithmetic3A_698 = vector.broadcast %shift_right_arithmetic3A_697 : i32 to vector<8x1xi32>
      %shift_right_arithmetic3A_699 = arith.shrsi %bitcast_convert_type3A_696, %shift_right_arithmetic3A_698 : vector<8x1xi32>
      %or3A_700 = arith.constant -2147483648 : i32
      %or3A_701 = vector.broadcast %or3A_700 : i32 to vector<8x1xi32>
      %or3A_702 = arith.ori %shift_right_arithmetic3A_699, %or3A_701 : vector<8x1xi32>
      %xor3A_703 = arith.xori %bitcast_convert_type3A_696, %or3A_702 : vector<8x1xi32>
      %and3A_704 = arith.constant 1023 : i32
      %and3A_705 = vector.broadcast %and3A_704 : i32 to vector<8x1xi32>
      %and3A_706 = arith.andi %xor3A_703, %and3A_705 : vector<8x1xi32>
      %sub3A_707 = arith.constant 1023 : i32
      %sub3A_708 = vector.broadcast %sub3A_707 : i32 to vector<8x1xi32>
      %sub3A_709 = arith.subi %sub3A_708, %and3A_706 : vector<8x1xi32>
      %jit3A_710 = arith.constant 0.000000e+00 : f32
      %broadcast_in_dim3A_711 = vector.broadcast %jit3A_710 : f32 to vector<8x1024xf32>
      %select_n3A_712 = arith.select %eq3A_585, %get3A_550, %broadcast_in_dim3A_711 : vector<8x1024xi1>, vector<8x1024xf32>
      %reduce_sum3A_713 = arith.constant dense<0.000000e+00> : vector<8xf32>
      %reduce_sum3A_714 = vector.multi_reduction <add>, %select_n3A_712, %reduce_sum3A_713 [1] : vector<8x1024xf32> to vector<8xf32>
      %broadcast_in_dim3A_715 = vector.shape_cast %reduce_sum3A_714 : vector<8xf32> to vector<8x1xf32>
      %jit3A_716 = arith.constant 0.000000e+00 : f32
      %broadcast_in_dim3A_717 = vector.broadcast %jit3A_716 : f32 to vector<8x1024xf32>
      %select_n3A_718 = arith.select %eq3A_585, %get3A_553, %broadcast_in_dim3A_717 : vector<8x1024xi1>, vector<8x1024xf32>
      %reduce_sum3A_719 = arith.constant dense<0.000000e+00> : vector<8xf32>
      %reduce_sum3A_720 = vector.multi_reduction <add>, %select_n3A_718, %reduce_sum3A_719 [1] : vector<8x1024xf32> to vector<8xf32>
      %broadcast_in_dim3A_721 = vector.shape_cast %reduce_sum3A_720 : vector<8xf32> to vector<8x1xf32>
      %jit3A_722 = arith.constant 0.000000e+00 : f32
      %broadcast_in_dim3A_723 = vector.broadcast %jit3A_722 : f32 to vector<8x1024xf32>
      %select_n3A_724 = arith.select %eq3A_607, %get3A_550, %broadcast_in_dim3A_723 : vector<8x1024xi1>, vector<8x1024xf32>
      %reduce_sum3A_725 = arith.constant dense<0.000000e+00> : vector<8xf32>
      %reduce_sum3A_726 = vector.multi_reduction <add>, %select_n3A_724, %reduce_sum3A_725 [1] : vector<8x1024xf32> to vector<8xf32>
      %broadcast_in_dim3A_727 = vector.shape_cast %reduce_sum3A_726 : vector<8xf32> to vector<8x1xf32>
      %jit3A_728 = arith.constant 0.000000e+00 : f32
      %broadcast_in_dim3A_729 = vector.broadcast %jit3A_728 : f32 to vector<8x1024xf32>
      %select_n3A_730 = arith.select %eq3A_607, %get3A_553, %broadcast_in_dim3A_729 : vector<8x1024xi1>, vector<8x1024xf32>
      %reduce_sum3A_731 = arith.constant dense<0.000000e+00> : vector<8xf32>
      %reduce_sum3A_732 = vector.multi_reduction <add>, %select_n3A_730, %reduce_sum3A_731 [1] : vector<8x1024xf32> to vector<8xf32>
      %broadcast_in_dim3A_733 = vector.shape_cast %reduce_sum3A_732 : vector<8xf32> to vector<8x1xf32>
      %jit3A_734 = arith.constant 0.000000e+00 : f32
      %broadcast_in_dim3A_735 = vector.broadcast %jit3A_734 : f32 to vector<8x1024xf32>
      %select_n3A_736 = arith.select %eq3A_629, %get3A_550, %broadcast_in_dim3A_735 : vector<8x1024xi1>, vector<8x1024xf32>
      %reduce_sum3A_737 = arith.constant dense<0.000000e+00> : vector<8xf32>
      %reduce_sum3A_738 = vector.multi_reduction <add>, %select_n3A_736, %reduce_sum3A_737 [1] : vector<8x1024xf32> to vector<8xf32>
      %broadcast_in_dim3A_739 = vector.shape_cast %reduce_sum3A_738 : vector<8xf32> to vector<8x1xf32>
      %jit3A_740 = arith.constant 0.000000e+00 : f32
      %broadcast_in_dim3A_741 = vector.broadcast %jit3A_740 : f32 to vector<8x1024xf32>
      %select_n3A_742 = arith.select %eq3A_629, %get3A_553, %broadcast_in_dim3A_741 : vector<8x1024xi1>, vector<8x1024xf32>
      %reduce_sum3A_743 = arith.constant dense<0.000000e+00> : vector<8xf32>
      %reduce_sum3A_744 = vector.multi_reduction <add>, %select_n3A_742, %reduce_sum3A_743 [1] : vector<8x1024xf32> to vector<8xf32>
      %broadcast_in_dim3A_745 = vector.shape_cast %reduce_sum3A_744 : vector<8xf32> to vector<8x1xf32>
      %jit3A_746 = arith.constant 0.000000e+00 : f32
      %broadcast_in_dim3A_747 = vector.broadcast %jit3A_746 : f32 to vector<8x1024xf32>
      %select_n3A_748 = arith.select %eq3A_651, %get3A_550, %broadcast_in_dim3A_747 : vector<8x1024xi1>, vector<8x1024xf32>
      %reduce_sum3A_749 = arith.constant dense<0.000000e+00> : vector<8xf32>
      %reduce_sum3A_750 = vector.multi_reduction <add>, %select_n3A_748, %reduce_sum3A_749 [1] : vector<8x1024xf32> to vector<8xf32>
      %broadcast_in_dim3A_751 = vector.shape_cast %reduce_sum3A_750 : vector<8xf32> to vector<8x1xf32>
      %jit3A_752 = arith.constant 0.000000e+00 : f32
      %broadcast_in_dim3A_753 = vector.broadcast %jit3A_752 : f32 to vector<8x1024xf32>
      %select_n3A_754 = arith.select %eq3A_651, %get3A_553, %broadcast_in_dim3A_753 : vector<8x1024xi1>, vector<8x1024xf32>
      %reduce_sum3A_755 = arith.constant dense<0.000000e+00> : vector<8xf32>
      %reduce_sum3A_756 = vector.multi_reduction <add>, %select_n3A_754, %reduce_sum3A_755 [1] : vector<8x1024xf32> to vector<8xf32>
      %broadcast_in_dim3A_757 = vector.shape_cast %reduce_sum3A_756 : vector<8xf32> to vector<8x1xf32>
      %jit3A_758 = arith.constant 0.000000e+00 : f32
      %broadcast_in_dim3A_759 = vector.broadcast %jit3A_758 : f32 to vector<8x1024xf32>
      %select_n3A_760 = arith.select %eq3A_673, %get3A_550, %broadcast_in_dim3A_759 : vector<8x1024xi1>, vector<8x1024xf32>
      %reduce_sum3A_761 = arith.constant dense<0.000000e+00> : vector<8xf32>
      %reduce_sum3A_762 = vector.multi_reduction <add>, %select_n3A_760, %reduce_sum3A_761 [1] : vector<8x1024xf32> to vector<8xf32>
      %broadcast_in_dim3A_763 = vector.shape_cast %reduce_sum3A_762 : vector<8xf32> to vector<8x1xf32>
      %jit3A_764 = arith.constant 0.000000e+00 : f32
      %broadcast_in_dim3A_765 = vector.broadcast %jit3A_764 : f32 to vector<8x1024xf32>
      %select_n3A_766 = arith.select %eq3A_673, %get3A_553, %broadcast_in_dim3A_765 : vector<8x1024xi1>, vector<8x1024xf32>
      %reduce_sum3A_767 = arith.constant dense<0.000000e+00> : vector<8xf32>
      %reduce_sum3A_768 = vector.multi_reduction <add>, %select_n3A_766, %reduce_sum3A_767 [1] : vector<8x1024xf32> to vector<8xf32>
      %broadcast_in_dim3A_769 = vector.shape_cast %reduce_sum3A_768 : vector<8xf32> to vector<8x1xf32>
      %jit3A_770 = arith.constant 0.000000e+00 : f32
      %broadcast_in_dim3A_771 = vector.broadcast %jit3A_770 : f32 to vector<8x1024xf32>
      %select_n3A_772 = arith.select %eq3A_695, %get3A_550, %broadcast_in_dim3A_771 : vector<8x1024xi1>, vector<8x1024xf32>
      %reduce_sum3A_773 = arith.constant dense<0.000000e+00> : vector<8xf32>
      %reduce_sum3A_774 = vector.multi_reduction <add>, %select_n3A_772, %reduce_sum3A_773 [1] : vector<8x1024xf32> to vector<8xf32>
      %broadcast_in_dim3A_775 = vector.shape_cast %reduce_sum3A_774 : vector<8xf32> to vector<8x1xf32>
      %jit3A_776 = arith.constant 0.000000e+00 : f32
      %broadcast_in_dim3A_777 = vector.broadcast %jit3A_776 : f32 to vector<8x1024xf32>
      %select_n3A_778 = arith.select %eq3A_695, %get3A_553, %broadcast_in_dim3A_777 : vector<8x1024xi1>, vector<8x1024xf32>
      %reduce_sum3A_779 = arith.constant dense<0.000000e+00> : vector<8xf32>
      %reduce_sum3A_780 = vector.multi_reduction <add>, %select_n3A_778, %reduce_sum3A_779 [1] : vector<8x1024xf32> to vector<8xf32>
      %broadcast_in_dim3A_781 = vector.shape_cast %reduce_sum3A_780 : vector<8xf32> to vector<8x1xf32>
      %concatenate3A_782 = tpu.concatenate %sub3A_599, %sub3A_621, %sub3A_643, %sub3A_665, %sub3A_687, %sub3A_709 in 1 : vector<8x1xi32>, vector<8x1xi32>, vector<8x1xi32>, vector<8x1xi32>, vector<8x1xi32>, vector<8x1xi32> -> vector<8x6xi32>
      %concatenate3A_783 = tpu.concatenate %broadcast_in_dim3A_715, %broadcast_in_dim3A_727, %broadcast_in_dim3A_739, %broadcast_in_dim3A_751, %broadcast_in_dim3A_763, %broadcast_in_dim3A_775 in 1 : vector<8x1xf32>, vector<8x1xf32>, vector<8x1xf32>, vector<8x1xf32>, vector<8x1xf32>, vector<8x1xf32> -> vector<8x6xf32>
      %concatenate3A_784 = tpu.concatenate %broadcast_in_dim3A_721, %broadcast_in_dim3A_733, %broadcast_in_dim3A_745, %broadcast_in_dim3A_757, %broadcast_in_dim3A_769, %broadcast_in_dim3A_781 in 1 : vector<8x1xf32>, vector<8x1xf32>, vector<8x1xf32>, vector<8x1xf32>, vector<8x1xf32>, vector<8x1xf32> -> vector<8x6xf32>
      %slice3A_785 = vector.extract_strided_slice %concatenate3A_783 {offsets = [0, 0], sizes = [4, 6], strides = [1, 1]} : vector<8x6xf32> to vector<4x6xf32>
      %slice3A_786 = vector.extract_strided_slice %concatenate3A_783 {offsets = [4, 0], sizes = [4, 6], strides = [1, 1]} : vector<8x6xf32> to vector<4x6xf32>
      %slice3A_787 = vector.extract_strided_slice %concatenate3A_784 {offsets = [0, 0], sizes = [4, 6], strides = [1, 1]} : vector<8x6xf32> to vector<4x6xf32>
      %slice3A_788 = vector.extract_strided_slice %concatenate3A_784 {offsets = [4, 0], sizes = [4, 6], strides = [1, 1]} : vector<8x6xf32> to vector<4x6xf32>
      %slice3A_789 = vector.extract_strided_slice %concatenate3A_782 {offsets = [0, 0], sizes = [4, 6], strides = [1, 1]} : vector<8x6xi32> to vector<4x6xi32>
      %slice3A_790 = vector.extract_strided_slice %concatenate3A_782 {offsets = [4, 0], sizes = [4, 6], strides = [1, 1]} : vector<8x6xi32> to vector<4x6xi32>
      %slice3A_791 = vector.extract_strided_slice %slice3A_785 {offsets = [0, 0], sizes = [4, 1], strides = [1, 1]} : vector<4x6xf32> to vector<4x1xf32>
      %slice3A_792 = vector.extract_strided_slice %slice3A_787 {offsets = [0, 0], sizes = [4, 1], strides = [1, 1]} : vector<4x6xf32> to vector<4x1xf32>
      %add3A_793 = arith.addf %scan3A_466, %slice3A_791 : vector<4x1xf32>
      %add3A_794 = vector.broadcast %add3A_793 : vector<4x1xf32> to vector<4x6xf32>
      %add3A_795 = arith.addf %add3A_794, %slice3A_786 : vector<4x6xf32>
      %add3A_796 = vector.broadcast %slice3A_792 : vector<4x1xf32> to vector<4x6xf32>
      %add3A_797 = arith.addf %add3A_795, %add3A_796 : vector<4x6xf32>
      %add3A_798 = arith.addf %add3A_797, %slice3A_788 : vector<4x6xf32>
      %slice3A_799 = vector.extract_strided_slice %slice3A_789 {offsets = [0, 0], sizes = [4, 1], strides = [1, 1]} : vector<4x6xi32> to vector<4x1xi32>
      %mul3A_800 = arith.constant 1024 : i32
      %mul3A_801 = vector.broadcast %mul3A_800 : i32 to vector<4x1xi32>
      %mul3A_802 = arith.muli %slice3A_799, %mul3A_801 : vector<4x1xi32>
      %add3A_803 = vector.broadcast %mul3A_802 : vector<4x1xi32> to vector<4x6xi32>
      %add3A_804 = arith.addi %add3A_803, %slice3A_790 : vector<4x6xi32>
      %slice3A_805 = vector.extract_strided_slice %slice3A_785 {offsets = [0, 1], sizes = [4, 1], strides = [1, 1]} : vector<4x6xf32> to vector<4x1xf32>
      %slice3A_806 = vector.extract_strided_slice %slice3A_787 {offsets = [0, 1], sizes = [4, 1], strides = [1, 1]} : vector<4x6xf32> to vector<4x1xf32>
      %add3A_807 = arith.addf %scan3A_466, %slice3A_805 : vector<4x1xf32>
      %add3A_808 = vector.broadcast %add3A_807 : vector<4x1xf32> to vector<4x6xf32>
      %add3A_809 = arith.addf %add3A_808, %slice3A_786 : vector<4x6xf32>
      %add3A_810 = vector.broadcast %slice3A_806 : vector<4x1xf32> to vector<4x6xf32>
      %add3A_811 = arith.addf %add3A_809, %add3A_810 : vector<4x6xf32>
      %add3A_812 = arith.addf %add3A_811, %slice3A_788 : vector<4x6xf32>
      %slice3A_813 = vector.extract_strided_slice %slice3A_789 {offsets = [0, 1], sizes = [4, 1], strides = [1, 1]} : vector<4x6xi32> to vector<4x1xi32>
      %mul3A_814 = arith.constant 1024 : i32
      %mul3A_815 = vector.broadcast %mul3A_814 : i32 to vector<4x1xi32>
      %mul3A_816 = arith.muli %slice3A_813, %mul3A_815 : vector<4x1xi32>
      %add3A_817 = vector.broadcast %mul3A_816 : vector<4x1xi32> to vector<4x6xi32>
      %add3A_818 = arith.addi %add3A_817, %slice3A_790 : vector<4x6xi32>
      %slice3A_819 = vector.extract_strided_slice %slice3A_785 {offsets = [0, 2], sizes = [4, 1], strides = [1, 1]} : vector<4x6xf32> to vector<4x1xf32>
      %slice3A_820 = vector.extract_strided_slice %slice3A_787 {offsets = [0, 2], sizes = [4, 1], strides = [1, 1]} : vector<4x6xf32> to vector<4x1xf32>
      %add3A_821 = arith.addf %scan3A_466, %slice3A_819 : vector<4x1xf32>
      %add3A_822 = vector.broadcast %add3A_821 : vector<4x1xf32> to vector<4x6xf32>
      %add3A_823 = arith.addf %add3A_822, %slice3A_786 : vector<4x6xf32>
      %add3A_824 = vector.broadcast %slice3A_820 : vector<4x1xf32> to vector<4x6xf32>
      %add3A_825 = arith.addf %add3A_823, %add3A_824 : vector<4x6xf32>
      %add3A_826 = arith.addf %add3A_825, %slice3A_788 : vector<4x6xf32>
      %slice3A_827 = vector.extract_strided_slice %slice3A_789 {offsets = [0, 2], sizes = [4, 1], strides = [1, 1]} : vector<4x6xi32> to vector<4x1xi32>
      %mul3A_828 = arith.constant 1024 : i32
      %mul3A_829 = vector.broadcast %mul3A_828 : i32 to vector<4x1xi32>
      %mul3A_830 = arith.muli %slice3A_827, %mul3A_829 : vector<4x1xi32>
      %add3A_831 = vector.broadcast %mul3A_830 : vector<4x1xi32> to vector<4x6xi32>
      %add3A_832 = arith.addi %add3A_831, %slice3A_790 : vector<4x6xi32>
      %slice3A_833 = vector.extract_strided_slice %slice3A_785 {offsets = [0, 3], sizes = [4, 1], strides = [1, 1]} : vector<4x6xf32> to vector<4x1xf32>
      %slice3A_834 = vector.extract_strided_slice %slice3A_787 {offsets = [0, 3], sizes = [4, 1], strides = [1, 1]} : vector<4x6xf32> to vector<4x1xf32>
      %add3A_835 = arith.addf %scan3A_466, %slice3A_833 : vector<4x1xf32>
      %add3A_836 = vector.broadcast %add3A_835 : vector<4x1xf32> to vector<4x6xf32>
      %add3A_837 = arith.addf %add3A_836, %slice3A_786 : vector<4x6xf32>
      %add3A_838 = vector.broadcast %slice3A_834 : vector<4x1xf32> to vector<4x6xf32>
      %add3A_839 = arith.addf %add3A_837, %add3A_838 : vector<4x6xf32>
      %add3A_840 = arith.addf %add3A_839, %slice3A_788 : vector<4x6xf32>
      %slice3A_841 = vector.extract_strided_slice %slice3A_789 {offsets = [0, 3], sizes = [4, 1], strides = [1, 1]} : vector<4x6xi32> to vector<4x1xi32>
      %mul3A_842 = arith.constant 1024 : i32
      %mul3A_843 = vector.broadcast %mul3A_842 : i32 to vector<4x1xi32>
      %mul3A_844 = arith.muli %slice3A_841, %mul3A_843 : vector<4x1xi32>
      %add3A_845 = vector.broadcast %mul3A_844 : vector<4x1xi32> to vector<4x6xi32>
      %add3A_846 = arith.addi %add3A_845, %slice3A_790 : vector<4x6xi32>
      %slice3A_847 = vector.extract_strided_slice %slice3A_785 {offsets = [0, 4], sizes = [4, 1], strides = [1, 1]} : vector<4x6xf32> to vector<4x1xf32>
      %slice3A_848 = vector.extract_strided_slice %slice3A_787 {offsets = [0, 4], sizes = [4, 1], strides = [1, 1]} : vector<4x6xf32> to vector<4x1xf32>
      %add3A_849 = arith.addf %scan3A_466, %slice3A_847 : vector<4x1xf32>
      %add3A_850 = vector.broadcast %add3A_849 : vector<4x1xf32> to vector<4x6xf32>
      %add3A_851 = arith.addf %add3A_850, %slice3A_786 : vector<4x6xf32>
      %add3A_852 = vector.broadcast %slice3A_848 : vector<4x1xf32> to vector<4x6xf32>
      %add3A_853 = arith.addf %add3A_851, %add3A_852 : vector<4x6xf32>
      %add3A_854 = arith.addf %add3A_853, %slice3A_788 : vector<4x6xf32>
      %slice3A_855 = vector.extract_strided_slice %slice3A_789 {offsets = [0, 4], sizes = [4, 1], strides = [1, 1]} : vector<4x6xi32> to vector<4x1xi32>
      %mul3A_856 = arith.constant 1024 : i32
      %mul3A_857 = vector.broadcast %mul3A_856 : i32 to vector<4x1xi32>
      %mul3A_858 = arith.muli %slice3A_855, %mul3A_857 : vector<4x1xi32>
      %add3A_859 = vector.broadcast %mul3A_858 : vector<4x1xi32> to vector<4x6xi32>
      %add3A_860 = arith.addi %add3A_859, %slice3A_790 : vector<4x6xi32>
      %slice3A_861 = vector.extract_strided_slice %slice3A_785 {offsets = [0, 5], sizes = [4, 1], strides = [1, 1]} : vector<4x6xf32> to vector<4x1xf32>
      %slice3A_862 = vector.extract_strided_slice %slice3A_787 {offsets = [0, 5], sizes = [4, 1], strides = [1, 1]} : vector<4x6xf32> to vector<4x1xf32>
      %add3A_863 = arith.addf %scan3A_466, %slice3A_861 : vector<4x1xf32>
      %add3A_864 = vector.broadcast %add3A_863 : vector<4x1xf32> to vector<4x6xf32>
      %add3A_865 = arith.addf %add3A_864, %slice3A_786 : vector<4x6xf32>
      %add3A_866 = vector.broadcast %slice3A_862 : vector<4x1xf32> to vector<4x6xf32>
      %add3A_867 = arith.addf %add3A_865, %add3A_866 : vector<4x6xf32>
      %add3A_868 = arith.addf %add3A_867, %slice3A_788 : vector<4x6xf32>
      %slice3A_869 = vector.extract_strided_slice %slice3A_789 {offsets = [0, 5], sizes = [4, 1], strides = [1, 1]} : vector<4x6xi32> to vector<4x1xi32>
      %mul3A_870 = arith.constant 1024 : i32
      %mul3A_871 = vector.broadcast %mul3A_870 : i32 to vector<4x1xi32>
      %mul3A_872 = arith.muli %slice3A_869, %mul3A_871 : vector<4x1xi32>
      %add3A_873 = vector.broadcast %mul3A_872 : vector<4x1xi32> to vector<4x6xi32>
      %add3A_874 = arith.addi %add3A_873, %slice3A_790 : vector<4x6xi32>
      %concatenate3A_875 = tpu.concatenate %add3A_798, %add3A_812, %add3A_826, %add3A_840, %add3A_854, %add3A_868 in 1 : vector<4x6xf32>, vector<4x6xf32>, vector<4x6xf32>, vector<4x6xf32>, vector<4x6xf32>, vector<4x6xf32> -> vector<4x36xf32>
      %concatenate3A_876 = tpu.concatenate %add3A_804, %add3A_818, %add3A_832, %add3A_846, %add3A_860, %add3A_874 in 1 : vector<4x6xi32>, vector<4x6xi32>, vector<4x6xi32>, vector<4x6xi32>, vector<4x6xi32>, vector<4x6xi32> -> vector<4x36xi32>
      %iota3A_877 = tpu.iota {dimensions = array<i32: 0>} : vector<4x36xi32>
      %mul3A_878 = arith.constant 1048576 : i32
      %mul3A_879 = vector.broadcast %mul3A_878 : i32 to vector<4x36xi32>
      %mul3A_880 = arith.muli %iota3A_877, %mul3A_879 : vector<4x36xi32>
      %add3A_881 = arith.addi %mul3A_880, %concatenate3A_876 : vector<4x36xi32>
      %convert_element_type3A_882 = arith.sitofp %add3A_881 : vector<4x36xi32> to vector<4x36xf32>
      %reduce_max3A_883 = vector.shape_cast %concatenate3A_875 : vector<4x36xf32> to vector<1x4x36xf32>
      %reduce_max3A_884 = arith.constant dense<0xFF800000> : vector<1xf32>
      %reduce_max3A_885 = vector.multi_reduction <maximumf>, %reduce_max3A_883, %reduce_max3A_884 [1, 2] : vector<1x4x36xf32> to vector<1xf32>
      %reduce_max3A_886 = vector.shape_cast %reduce_max3A_885 : vector<1xf32> to vector<1x1x1xf32>
      %reduce_max3A_887 = vector.extract %reduce_max3A_886[0, 0, 0] : f32 from vector<1x1x1xf32>
      %broadcast_in_dim3A_888 = vector.broadcast %reduce_max3A_887 : f32 to vector<1x1xf32>
      %eq3A_889 = vector.broadcast %broadcast_in_dim3A_888 : vector<1x1xf32> to vector<4x36xf32>
      %eq3A_890 = arith.cmpf oeq, %concatenate3A_875, %eq3A_889 : vector<4x36xf32>
      %jit3A_891 = arith.constant 0x4B000000 : f32
      %broadcast_in_dim3A_892 = vector.broadcast %jit3A_891 : f32 to vector<4x36xf32>
      %select_n3A_893 = arith.select %eq3A_890, %convert_element_type3A_882, %broadcast_in_dim3A_892 : vector<4x36xi1>, vector<4x36xf32>
      %reduce_min3A_894 = vector.shape_cast %select_n3A_893 : vector<4x36xf32> to vector<1x4x36xf32>
      %reduce_min3A_895 = arith.constant dense<0x7F800000> : vector<1xf32>
      %reduce_min3A_896 = vector.multi_reduction <minimumf>, %reduce_min3A_894, %reduce_min3A_895 [1, 2] : vector<1x4x36xf32> to vector<1xf32>
      %reduce_min3A_897 = vector.shape_cast %reduce_min3A_896 : vector<1xf32> to vector<1x1x1xf32>
      %reduce_min3A_898 = vector.extract %reduce_min3A_897[0, 0, 0] : f32 from vector<1x1x1xf32>
      %broadcast_in_dim3A_899 = vector.broadcast %reduce_min3A_898 : f32 to vector<1x1xf32>
      %eq3A_900 = vector.broadcast %broadcast_in_dim3A_899 : vector<1x1xf32> to vector<4x36xf32>
      %eq3A_901 = arith.cmpf oeq, %convert_element_type3A_882, %eq3A_900 : vector<4x36xf32>
      %jit3A_902 = arith.constant 0xFF800000 : f32
      %broadcast_in_dim3A_903 = vector.broadcast %jit3A_902 : f32 to vector<4x36xf32>
      %select_n3A_904 = arith.select %eq3A_901, %broadcast_in_dim3A_903, %concatenate3A_875 : vector<4x36xi1>, vector<4x36xf32>
      %reduce_max3A_905 = vector.shape_cast %select_n3A_904 : vector<4x36xf32> to vector<1x4x36xf32>
      %reduce_max3A_906 = arith.constant dense<0xFF800000> : vector<1xf32>
      %reduce_max3A_907 = vector.multi_reduction <maximumf>, %reduce_max3A_905, %reduce_max3A_906 [1, 2] : vector<1x4x36xf32> to vector<1xf32>
      %reduce_max3A_908 = vector.shape_cast %reduce_max3A_907 : vector<1xf32> to vector<1x1x1xf32>
      %reduce_max3A_909 = vector.extract %reduce_max3A_908[0, 0, 0] : f32 from vector<1x1x1xf32>
      %broadcast_in_dim3A_910 = vector.broadcast %reduce_max3A_909 : f32 to vector<1x1xf32>
      %eq3A_911 = vector.broadcast %broadcast_in_dim3A_910 : vector<1x1xf32> to vector<4x36xf32>
      %eq3A_912 = arith.cmpf oeq, %select_n3A_904, %eq3A_911 : vector<4x36xf32>
      %jit3A_913 = arith.constant 0x4B000000 : f32
      %broadcast_in_dim3A_914 = vector.broadcast %jit3A_913 : f32 to vector<4x36xf32>
      %select_n3A_915 = arith.select %eq3A_912, %convert_element_type3A_882, %broadcast_in_dim3A_914 : vector<4x36xi1>, vector<4x36xf32>
      %reduce_min3A_916 = vector.shape_cast %select_n3A_915 : vector<4x36xf32> to vector<1x4x36xf32>
      %reduce_min3A_917 = arith.constant dense<0x7F800000> : vector<1xf32>
      %reduce_min3A_918 = vector.multi_reduction <minimumf>, %reduce_min3A_916, %reduce_min3A_917 [1, 2] : vector<1x4x36xf32> to vector<1xf32>
      %reduce_min3A_919 = vector.shape_cast %reduce_min3A_918 : vector<1xf32> to vector<1x1x1xf32>
      %reduce_min3A_920 = vector.extract %reduce_min3A_919[0, 0, 0] : f32 from vector<1x1x1xf32>
      %broadcast_in_dim3A_921 = vector.broadcast %reduce_min3A_920 : f32 to vector<1x1xf32>
      %eq3A_922 = vector.broadcast %broadcast_in_dim3A_921 : vector<1x1xf32> to vector<4x36xf32>
      %eq3A_923 = arith.cmpf oeq, %convert_element_type3A_882, %eq3A_922 : vector<4x36xf32>
      %jit3A_924 = arith.constant 0xFF800000 : f32
      %broadcast_in_dim3A_925 = vector.broadcast %jit3A_924 : f32 to vector<4x36xf32>
      %select_n3A_926 = arith.select %eq3A_923, %broadcast_in_dim3A_925, %select_n3A_904 : vector<4x36xi1>, vector<4x36xf32>
      %reduce_max3A_927 = vector.shape_cast %select_n3A_926 : vector<4x36xf32> to vector<1x4x36xf32>
      %reduce_max3A_928 = arith.constant dense<0xFF800000> : vector<1xf32>
      %reduce_max3A_929 = vector.multi_reduction <maximumf>, %reduce_max3A_927, %reduce_max3A_928 [1, 2] : vector<1x4x36xf32> to vector<1xf32>
      %reduce_max3A_930 = vector.shape_cast %reduce_max3A_929 : vector<1xf32> to vector<1x1x1xf32>
      %reduce_max3A_931 = vector.extract %reduce_max3A_930[0, 0, 0] : f32 from vector<1x1x1xf32>
      %broadcast_in_dim3A_932 = vector.broadcast %reduce_max3A_931 : f32 to vector<1x1xf32>
      %eq3A_933 = vector.broadcast %broadcast_in_dim3A_932 : vector<1x1xf32> to vector<4x36xf32>
      %eq3A_934 = arith.cmpf oeq, %select_n3A_926, %eq3A_933 : vector<4x36xf32>
      %jit3A_935 = arith.constant 0x4B000000 : f32
      %broadcast_in_dim3A_936 = vector.broadcast %jit3A_935 : f32 to vector<4x36xf32>
      %select_n3A_937 = arith.select %eq3A_934, %convert_element_type3A_882, %broadcast_in_dim3A_936 : vector<4x36xi1>, vector<4x36xf32>
      %reduce_min3A_938 = vector.shape_cast %select_n3A_937 : vector<4x36xf32> to vector<1x4x36xf32>
      %reduce_min3A_939 = arith.constant dense<0x7F800000> : vector<1xf32>
      %reduce_min3A_940 = vector.multi_reduction <minimumf>, %reduce_min3A_938, %reduce_min3A_939 [1, 2] : vector<1x4x36xf32> to vector<1xf32>
      %reduce_min3A_941 = vector.shape_cast %reduce_min3A_940 : vector<1xf32> to vector<1x1x1xf32>
      %reduce_min3A_942 = vector.extract %reduce_min3A_941[0, 0, 0] : f32 from vector<1x1x1xf32>
      %broadcast_in_dim3A_943 = vector.broadcast %reduce_min3A_942 : f32 to vector<1x1xf32>
      %eq3A_944 = vector.broadcast %broadcast_in_dim3A_943 : vector<1x1xf32> to vector<4x36xf32>
      %eq3A_945 = arith.cmpf oeq, %convert_element_type3A_882, %eq3A_944 : vector<4x36xf32>
      %jit3A_946 = arith.constant 0xFF800000 : f32
      %broadcast_in_dim3A_947 = vector.broadcast %jit3A_946 : f32 to vector<4x36xf32>
      %select_n3A_948 = arith.select %eq3A_945, %broadcast_in_dim3A_947, %select_n3A_926 : vector<4x36xi1>, vector<4x36xf32>
      %reduce_max3A_949 = vector.shape_cast %select_n3A_948 : vector<4x36xf32> to vector<1x4x36xf32>
      %reduce_max3A_950 = arith.constant dense<0xFF800000> : vector<1xf32>
      %reduce_max3A_951 = vector.multi_reduction <maximumf>, %reduce_max3A_949, %reduce_max3A_950 [1, 2] : vector<1x4x36xf32> to vector<1xf32>
      %reduce_max3A_952 = vector.shape_cast %reduce_max3A_951 : vector<1xf32> to vector<1x1x1xf32>
      %reduce_max3A_953 = vector.extract %reduce_max3A_952[0, 0, 0] : f32 from vector<1x1x1xf32>
      %broadcast_in_dim3A_954 = vector.broadcast %reduce_max3A_953 : f32 to vector<1x1xf32>
      %eq3A_955 = vector.broadcast %broadcast_in_dim3A_954 : vector<1x1xf32> to vector<4x36xf32>
      %eq3A_956 = arith.cmpf oeq, %select_n3A_948, %eq3A_955 : vector<4x36xf32>
      %jit3A_957 = arith.constant 0x4B000000 : f32
      %broadcast_in_dim3A_958 = vector.broadcast %jit3A_957 : f32 to vector<4x36xf32>
      %select_n3A_959 = arith.select %eq3A_956, %convert_element_type3A_882, %broadcast_in_dim3A_958 : vector<4x36xi1>, vector<4x36xf32>
      %reduce_min3A_960 = vector.shape_cast %select_n3A_959 : vector<4x36xf32> to vector<1x4x36xf32>
      %reduce_min3A_961 = arith.constant dense<0x7F800000> : vector<1xf32>
      %reduce_min3A_962 = vector.multi_reduction <minimumf>, %reduce_min3A_960, %reduce_min3A_961 [1, 2] : vector<1x4x36xf32> to vector<1xf32>
      %reduce_min3A_963 = vector.shape_cast %reduce_min3A_962 : vector<1xf32> to vector<1x1x1xf32>
      %reduce_min3A_964 = vector.extract %reduce_min3A_963[0, 0, 0] : f32 from vector<1x1x1xf32>
      %broadcast_in_dim3A_965 = vector.broadcast %reduce_min3A_964 : f32 to vector<1x1xf32>
      %concatenate3A_966 = tpu.concatenate %broadcast_in_dim3A_888, %broadcast_in_dim3A_910, %broadcast_in_dim3A_932, %broadcast_in_dim3A_954 in 0 : vector<1x1xf32>, vector<1x1xf32>, vector<1x1xf32>, vector<1x1xf32> -> vector<4x1xf32>
      %squeeze3A_967 = vector.extract %broadcast_in_dim3A_899[0, 0] : f32 from vector<1x1xf32>
      %convert_element_type3A_968 = arith.fptosi %squeeze3A_967 : f32 to i32
      %shift_right_logical3A_969 = arith.constant 20 : i32
      %shift_right_logical3A_970 = arith.shrui %convert_element_type3A_968, %shift_right_logical3A_969 : i32
      %shift_right_logical3A_971 = arith.constant 10 : i32
      %shift_right_logical3A_972 = arith.shrui %convert_element_type3A_968, %shift_right_logical3A_971 : i32
      %and3A_973 = arith.constant 1023 : i32
      %and3A_974 = arith.andi %shift_right_logical3A_972, %and3A_973 : i32
      %and3A_975 = arith.constant 1023 : i32
      %and3A_976 = arith.andi %convert_element_type3A_968, %and3A_975 : i32
      %sub3A_977 = arith.constant 1 : i32
      %sub3A_978 = arith.subi %scan3A_457, %sub3A_977 : i32
      %swap3A_979 = arith.index_cast %sub3A_978 : i32 to index
      %swap3A_980 = arith.constant 0 : index
      %swap3A_981 = memref.load %arg8[%swap3A_979, %swap3A_980] : memref<255x4xi32, #tpu.memory_space<smem>>
      memref.store %and3A_974, %arg8[%swap3A_979, %swap3A_980] : memref<255x4xi32, #tpu.memory_space<smem>>
      %sub3A_982 = arith.constant 1 : i32
      %sub3A_983 = arith.subi %scan3A_457, %sub3A_982 : i32
      %swap3A_984 = arith.index_cast %sub3A_983 : i32 to index
      %swap3A_985 = arith.constant 0 : index
      %swap3A_986 = memref.load %arg9[%swap3A_984, %swap3A_985] : memref<255x4xi32, #tpu.memory_space<smem>>
      memref.store %and3A_976, %arg9[%swap3A_984, %swap3A_985] : memref<255x4xi32, #tpu.memory_space<smem>>
      %sub3A_987 = arith.constant 1 : i32
      %sub3A_988 = arith.subi %scan3A_457, %sub3A_987 : i32
      %swap3A_989 = arith.index_cast %sub3A_988 : i32 to index
      %swap3A_990 = arith.constant 0 : index
      %swap3A_991 = memref.load %arg10[%swap3A_989, %swap3A_990] : memref<255x4xi32, #tpu.memory_space<smem>>
      memref.store %shift_right_logical3A_970, %arg10[%swap3A_989, %swap3A_990] : memref<255x4xi32, #tpu.memory_space<smem>>
      %squeeze3A_992 = vector.extract %broadcast_in_dim3A_921[0, 0] : f32 from vector<1x1xf32>
      %convert_element_type3A_993 = arith.fptosi %squeeze3A_992 : f32 to i32
      %shift_right_logical3A_994 = arith.constant 20 : i32
      %shift_right_logical3A_995 = arith.shrui %convert_element_type3A_993, %shift_right_logical3A_994 : i32
      %shift_right_logical3A_996 = arith.constant 10 : i32
      %shift_right_logical3A_997 = arith.shrui %convert_element_type3A_993, %shift_right_logical3A_996 : i32
      %and3A_998 = arith.constant 1023 : i32
      %and3A_999 = arith.andi %shift_right_logical3A_997, %and3A_998 : i32
      %and3A_1000 = arith.constant 1023 : i32
      %and3A_1001 = arith.andi %convert_element_type3A_993, %and3A_1000 : i32
      %sub3A_1002 = arith.constant 1 : i32
      %sub3A_1003 = arith.subi %scan3A_457, %sub3A_1002 : i32
      %swap3A_1004 = arith.index_cast %sub3A_1003 : i32 to index
      %swap3A_1005 = arith.constant 1 : index
      %swap3A_1006 = memref.load %arg8[%swap3A_1004, %swap3A_1005] : memref<255x4xi32, #tpu.memory_space<smem>>
      memref.store %and3A_999, %arg8[%swap3A_1004, %swap3A_1005] : memref<255x4xi32, #tpu.memory_space<smem>>
      %sub3A_1007 = arith.constant 1 : i32
      %sub3A_1008 = arith.subi %scan3A_457, %sub3A_1007 : i32
      %swap3A_1009 = arith.index_cast %sub3A_1008 : i32 to index
      %swap3A_1010 = arith.constant 1 : index
      %swap3A_1011 = memref.load %arg9[%swap3A_1009, %swap3A_1010] : memref<255x4xi32, #tpu.memory_space<smem>>
      memref.store %and3A_1001, %arg9[%swap3A_1009, %swap3A_1010] : memref<255x4xi32, #tpu.memory_space<smem>>
      %sub3A_1012 = arith.constant 1 : i32
      %sub3A_1013 = arith.subi %scan3A_457, %sub3A_1012 : i32
      %swap3A_1014 = arith.index_cast %sub3A_1013 : i32 to index
      %swap3A_1015 = arith.constant 1 : index
      %swap3A_1016 = memref.load %arg10[%swap3A_1014, %swap3A_1015] : memref<255x4xi32, #tpu.memory_space<smem>>
      memref.store %shift_right_logical3A_995, %arg10[%swap3A_1014, %swap3A_1015] : memref<255x4xi32, #tpu.memory_space<smem>>
      %squeeze3A_1017 = vector.extract %broadcast_in_dim3A_943[0, 0] : f32 from vector<1x1xf32>
      %convert_element_type3A_1018 = arith.fptosi %squeeze3A_1017 : f32 to i32
      %shift_right_logical3A_1019 = arith.constant 20 : i32
      %shift_right_logical3A_1020 = arith.shrui %convert_element_type3A_1018, %shift_right_logical3A_1019 : i32
      %shift_right_logical3A_1021 = arith.constant 10 : i32
      %shift_right_logical3A_1022 = arith.shrui %convert_element_type3A_1018, %shift_right_logical3A_1021 : i32
      %and3A_1023 = arith.constant 1023 : i32
      %and3A_1024 = arith.andi %shift_right_logical3A_1022, %and3A_1023 : i32
      %and3A_1025 = arith.constant 1023 : i32
      %and3A_1026 = arith.andi %convert_element_type3A_1018, %and3A_1025 : i32
      %sub3A_1027 = arith.constant 1 : i32
      %sub3A_1028 = arith.subi %scan3A_457, %sub3A_1027 : i32
      %swap3A_1029 = arith.index_cast %sub3A_1028 : i32 to index
      %swap3A_1030 = arith.constant 2 : index
      %swap3A_1031 = memref.load %arg8[%swap3A_1029, %swap3A_1030] : memref<255x4xi32, #tpu.memory_space<smem>>
      memref.store %and3A_1024, %arg8[%swap3A_1029, %swap3A_1030] : memref<255x4xi32, #tpu.memory_space<smem>>
      %sub3A_1032 = arith.constant 1 : i32
      %sub3A_1033 = arith.subi %scan3A_457, %sub3A_1032 : i32
      %swap3A_1034 = arith.index_cast %sub3A_1033 : i32 to index
      %swap3A_1035 = arith.constant 2 : index
      %swap3A_1036 = memref.load %arg9[%swap3A_1034, %swap3A_1035] : memref<255x4xi32, #tpu.memory_space<smem>>
      memref.store %and3A_1026, %arg9[%swap3A_1034, %swap3A_1035] : memref<255x4xi32, #tpu.memory_space<smem>>
      %sub3A_1037 = arith.constant 1 : i32
      %sub3A_1038 = arith.subi %scan3A_457, %sub3A_1037 : i32
      %swap3A_1039 = arith.index_cast %sub3A_1038 : i32 to index
      %swap3A_1040 = arith.constant 2 : index
      %swap3A_1041 = memref.load %arg10[%swap3A_1039, %swap3A_1040] : memref<255x4xi32, #tpu.memory_space<smem>>
      memref.store %shift_right_logical3A_1020, %arg10[%swap3A_1039, %swap3A_1040] : memref<255x4xi32, #tpu.memory_space<smem>>
      %squeeze3A_1042 = vector.extract %broadcast_in_dim3A_965[0, 0] : f32 from vector<1x1xf32>
      %convert_element_type3A_1043 = arith.fptosi %squeeze3A_1042 : f32 to i32
      %shift_right_logical3A_1044 = arith.constant 20 : i32
      %shift_right_logical3A_1045 = arith.shrui %convert_element_type3A_1043, %shift_right_logical3A_1044 : i32
      %shift_right_logical3A_1046 = arith.constant 10 : i32
      %shift_right_logical3A_1047 = arith.shrui %convert_element_type3A_1043, %shift_right_logical3A_1046 : i32
      %and3A_1048 = arith.constant 1023 : i32
      %and3A_1049 = arith.andi %shift_right_logical3A_1047, %and3A_1048 : i32
      %and3A_1050 = arith.constant 1023 : i32
      %and3A_1051 = arith.andi %convert_element_type3A_1043, %and3A_1050 : i32
      %sub3A_1052 = arith.constant 1 : i32
      %sub3A_1053 = arith.subi %scan3A_457, %sub3A_1052 : i32
      %swap3A_1054 = arith.index_cast %sub3A_1053 : i32 to index
      %swap3A_1055 = arith.constant 3 : index
      %swap3A_1056 = memref.load %arg8[%swap3A_1054, %swap3A_1055] : memref<255x4xi32, #tpu.memory_space<smem>>
      memref.store %and3A_1049, %arg8[%swap3A_1054, %swap3A_1055] : memref<255x4xi32, #tpu.memory_space<smem>>
      %sub3A_1057 = arith.constant 1 : i32
      %sub3A_1058 = arith.subi %scan3A_457, %sub3A_1057 : i32
      %swap3A_1059 = arith.index_cast %sub3A_1058 : i32 to index
      %swap3A_1060 = arith.constant 3 : index
      %swap3A_1061 = memref.load %arg9[%swap3A_1059, %swap3A_1060] : memref<255x4xi32, #tpu.memory_space<smem>>
      memref.store %and3A_1051, %arg9[%swap3A_1059, %swap3A_1060] : memref<255x4xi32, #tpu.memory_space<smem>>
      %sub3A_1062 = arith.constant 1 : i32
      %sub3A_1063 = arith.subi %scan3A_457, %sub3A_1062 : i32
      %swap3A_1064 = arith.index_cast %sub3A_1063 : i32 to index
      %swap3A_1065 = arith.constant 3 : index
      %swap3A_1066 = memref.load %arg10[%swap3A_1064, %swap3A_1065] : memref<255x4xi32, #tpu.memory_space<smem>>
      memref.store %shift_right_logical3A_1045, %arg10[%swap3A_1064, %swap3A_1065] : memref<255x4xi32, #tpu.memory_space<smem>>
      scf.yield %and3A_974, %and3A_976, %and3A_999, %and3A_1001, %and3A_1024, %and3A_1026, %and3A_1049, %and3A_1051, %concatenate3A_966 : i32, i32, i32, i32, i32, i32, i32, i32, vector<4x1xf32>
    }
    %scan3A_439 = arith.constant 255 : i32
    %scan3A_440 = arith.constant 0 : i32
    %scan3A_441 = arith.constant 0 : i32
    %scan3A_442 = arith.constant 255 : i32
    %scan3A_443 = arith.addi %scan3A_441, %scan3A_442 : i32
    %scan3A_444 = arith.constant 1 : i32
    %scan3A_445 = scf.for %scan3A_457 = %scan3A_441 to %scan3A_443 step %scan3A_444 iter_args(%scan3A_458 = %scan3A_440) -> (i32)  : i32 {
      %sub3A_459 = arith.constant 254 : i32
      %sub3A_460 = arith.subi %sub3A_459, %scan3A_457 : i32
      %get3A_461 = arith.index_cast %sub3A_460 : i32 to index
      %get3A_462 = arith.index_cast %scan3A_458 : i32 to index
      %get3A_463 = memref.load %arg8[%get3A_461, %get3A_462] : memref<255x4xi32, #tpu.memory_space<smem>>
      %add3A_464 = arith.constant 1 : i32
      %add3A_465 = arith.addi %sub3A_460, %add3A_464 : i32
      %swap3A_466 = arith.constant 0 : index
      %swap3A_467 = arith.index_cast %add3A_465 : i32 to index
      %swap3A_468 = memref.load %arg5[%swap3A_466, %swap3A_467] : memref<2x256xi32, #tpu.memory_space<smem>>
      memref.store %get3A_463, %arg5[%swap3A_466, %swap3A_467] : memref<2x256xi32, #tpu.memory_space<smem>>
      %get3A_469 = arith.index_cast %sub3A_460 : i32 to index
      %get3A_470 = arith.index_cast %scan3A_458 : i32 to index
      %get3A_471 = memref.load %arg9[%get3A_469, %get3A_470] : memref<255x4xi32, #tpu.memory_space<smem>>
      %add3A_472 = arith.constant 1 : i32
      %add3A_473 = arith.addi %sub3A_460, %add3A_472 : i32
      %swap3A_474 = arith.constant 1 : index
      %swap3A_475 = arith.index_cast %add3A_473 : i32 to index
      %swap3A_476 = memref.load %arg5[%swap3A_474, %swap3A_475] : memref<2x256xi32, #tpu.memory_space<smem>>
      memref.store %get3A_471, %arg5[%swap3A_474, %swap3A_475] : memref<2x256xi32, #tpu.memory_space<smem>>
      %get3A_477 = arith.index_cast %sub3A_460 : i32 to index
      %get3A_478 = arith.index_cast %scan3A_458 : i32 to index
      %get3A_479 = memref.load %arg10[%get3A_477, %get3A_478] : memref<255x4xi32, #tpu.memory_space<smem>>
      scf.yield %get3A_479 : i32
    }
    %scan3A_446 = arith.constant 255 : i32
    %get3A_447 = arith.index_cast %scan3A_445 : i32 to index
    %get3A_448 = memref.load %arg11[%get3A_447] : memref<4xi32, #tpu.memory_space<smem>>
    %swap3A_449 = arith.constant 0 : index
    %swap3A_450 = arith.constant 0 : index
    %swap3A_451 = memref.load %arg5[%swap3A_449, %swap3A_450] : memref<2x256xi32, #tpu.memory_space<smem>>
    memref.store %get3A_448, %arg5[%swap3A_449, %swap3A_450] : memref<2x256xi32, #tpu.memory_space<smem>>
    %get3A_452 = arith.index_cast %scan3A_445 : i32 to index
    %get3A_453 = memref.load %arg12[%get3A_452] : memref<4xi32, #tpu.memory_space<smem>>
    %swap3A_454 = arith.constant 1 : index
    %swap3A_455 = arith.constant 0 : index
    %swap3A_456 = memref.load %arg5[%swap3A_454, %swap3A_455] : memref<2x256xi32, #tpu.memory_space<smem>>
    memref.store %get3A_453, %arg5[%swap3A_454, %swap3A_455] : memref<2x256xi32, #tpu.memory_space<smem>>
    return
  }
}

</mosaic_0001>

<sc_bundles>
// kernel: kernel.5.cloned.1.call-start
scs
__scs_entry_jumppad:
0x0: {  	(pc) =	sbr.rel $0x88, $3  }
0x1: {  	(tag) =	ssettag $0x0;
	lr =	simm.s32 $0x1  }
0x2: {  	[smem:$0x3F9B] =	sst lr;
	_ =	strace $0xD0000000  }
0x3: {  	_ = 	snop  }
0x4: {  	_ = 	snop  }
0x5: {  	_ = 	snop  }
0x6: {  	_ = 	snop  }
0x7: {  	_ = 	snop  }
__scs_overlays_trampoline_lowered:
0x8: {  	[smem:$0x3FAA] =	sst s0  }
0x9: {  	[smem:$0x3FAB] =	sst s1  }
0xa: {  	[smem:$0x3FAC] =	sst s2  }
0xb: {  	[smem:$0x3FAD] =	sst s3  }
0xc: {  	[smem:$0x3FAE] =	sst s4  }
0xd: {  	[smem:$0x3FAF] =	sst s5  }
0xe: {  	[smem:$0x3FB0] =	sst s6  }
0xf: {  	[smem:$0x3FB1] =	sst s7  }
0x10: {  	[smem:$0x3FB2] =	sst s8  }
0x11: {  	[smem:$0x3FB3] =	sst s9;
	s0 =	simm.s32 @!p0 $0x0  }
0x12: {  	s1 =	sld [smem:$0x3F99];
	s0 =	simm.s32 @p0 $0x1  }
0x13: {  	[smem:$0x3FB4] =	sst s0;
	s0 =	simm.s32 @!p1 $0x0  }
0x14: {  	s2 =	sld [smem:$0x3F98];
	s0 =	simm.s32 @p1 $0x1  }
0x15: {  	[smem:$0x3FB5] =	sst s0;
	s0 =	simm.s32 @!p2 $0x0  }
0x16: {  	s3 =	sld [smem:$0x3FDB];
	s0 =	simm.s32 @p2 $0x1  }
0x17: {  	s4 =	simm.s32 $0x1BF5;
	[smem:$0x3FB7] =	sst s0  }
0x18: {  	s0 =	sld [smem:$0x3F9A];
	_ =	swait.ge [sflag:s4], $0x0  }
0x19: {  	s7 =	sld [smem:$0x3F9B]  }
0x1a: {  	s8 =	sadd.s32 $0xFFFFE003, lr  }
0x1b: {  	s9 =	sadd.s32 $0xFFFFFEF7, lr;
	s5 =	simm.s32 $0xFFFFFFFF;
	p2 =	slt.u32 s8, $0xFFFFF086  }
0x1c: {  	p1 =	slt.u32 s9, $0xF7A;
	s5 =	simm.s32 @!p2 $0x0  }
0x1d: {  	s5 =	simm.s32 @p1 $0x1;
	p0 =	seq.s32 s7, s2  }
0x1e: {  	s7 =	smul.u32 @!p0 $0xF7A, s2;
	p2 =	seq.s32 @!p0 s5, $0x0  }
0x1f: {  	s9 =	smul.u32 $0xF7A, s1;
	s8 =	simm.s32 @!p0 $0x1BF5;
	p2 =	por !p2, p0  }
0x20: {  	[sflag:s8] =	ssyncset.s32 @!p0 $0xFFFFF086;
	s6 =	sadd.s32 @!p0 s3, s7;
	s7 =	simm.s32 @!p0 $0x108  }
0x21: {  	s3 =	sadd.s32 s3, s9;
	s6 =	sadd.s32 @!p0 $0x88, s6;
	s7 =	simm.s32 @p2 $0x1082  }
0x22: {  	[simem:s7], [sflag:s8] =	dma.local @!p0 [hbm:s6], $0xF7A  }
0x23: {  	s9 =	sor.u32 $0xD0000000, s2;
	s6 =	simm.s32 $0x108;
	_ =	swait.ge @!p0 [sflag:s8], $0x0  }
0x24: {  	s3 =	sadd.s32 $0x88, s3;
	s6 =	simm.s32 @!p1 $0x1082;
	[sflag:s4] =	ssyncset.s32 $0xFFFFF086  }
0x25: {  	[simem:s6], [sflag:s4] =	dma.local [hbm:s3], $0xF7A  }
0x26: {  	[smem:$0x3F9B] =	sst s1;
	(tag) =	ssettag s2;
	_ =	strace s9  }
0x27: {  	s1 =	sld [smem:$0x3FAB]  }
0x28: {  	s2 =	sld [smem:$0x3FAC]  }
0x29: {  	s4 =	sld [smem:$0x3FAE]  }
0x2a: {  	p0 =	seq.s32 s5, $0x0;
	s5 =	sld [smem:$0x3FAF]  }
0x2b: {  	s6 =	sld [smem:$0x3FB0]  }
0x2c: {  	s7 =	sld [smem:$0x3FB1]  }
0x2d: {  	s3 =	simm.s32 $0x108;
	s8 =	sld [smem:$0x3FB2]  }
0x2e: {  	s3 =	simm.s32 @!p0 $0x1082;
	s9 =	sld [smem:$0x3FB3]  }
0x2f: {  	lr =	sadd.s32 s0, s3;
	s0 =	sld [smem:$0x3FAA]  }
0x30: {  	s3 =	sld [smem:$0x3FAD]  }
0x31: {  	[smem:$0x3FB6] =	sst s10  }
0x32: {  	s10 =	sld [smem:$0x3FB4];
	_ =	sdelay $0x3  }
0x33: {  	p0 =	seq.s32 s10, $0x1;
	s10 =	sld [smem:$0x3FB6];
	_ =	sdelay $0x3  }
0x34: {  	[smem:$0x3FB6] =	sst s10  }
0x35: {  	s10 =	sld [smem:$0x3FB5];
	_ =	sdelay $0x3  }
0x36: {  	p1 =	seq.s32 s10, $0x1;
	s10 =	sld [smem:$0x3FB6];
	_ =	sdelay $0x3  }
0x37: {  	[smem:$0x3FB6] =	sst s10  }
0x38: {  	s10 =	sld [smem:$0x3FB7]  }
0x39: {  	_ = 	snop;
	(pc) =	sbr.ind lr, $3  }
0x3a: {  	_ = 	snop  }
0x3b: {  	_ = 	snop  }
0x3c: {  	p2 =	seq.s32 s10, $0x1;
	s10 =	sld [smem:$0x3FB6]  }
0x3d: {  	_ =	shalt  }
0x3e: {  	_ =	shalt  }
0x3f: {  	_ =	shalt  }
0x40: {  	_ =	shalt  }
0x41: {  	_ =	shalt  }
0x42: {  	_ =	shalt  }
0x43: {  	_ =	shalt  }
0x44: {  	_ =	shalt  }
0x45: {  	_ =	shalt  }
0x46: {  	_ =	shalt  }
0x47: {  	_ =	shalt  }
0x48: {  	_ =	shalt  }
0x49: {  	_ =	shalt  }
0x4a: {  	_ =	shalt  }
0x4b: {  	_ =	shalt  }
0x4c: {  	_ =	shalt  }
0x4d: {  	_ =	shalt  }
0x4e: {  	_ =	shalt  }
0x4f: {  	_ =	shalt  }
0x50: {  	_ =	shalt  }
0x51: {  	_ =	shalt  }
0x52: {  	_ =	shalt  }
0x53: {  	_ =	shalt  }
0x54: {  	_ =	shalt  }
0x55: {  	_ =	shalt  }
0x56: {  	_ =	shalt  }
0x57: {  	_ =	shalt  }
0x58: {  	_ =	shalt  }
0x59: {  	_ =	shalt  }
0x5a: {  	_ =	shalt  }
0x5b: {  	_ =	shalt  }
0x5c: {  	_ =	shalt  }
0x5d: {  	_ =	shalt  }
0x5e: {  	_ =	shalt  }
0x5f: {  	_ =	shalt  }
0x60: {  	_ =	shalt  }
0x61: {  	_ =	shalt  }
0x62: {  	_ =	shalt  }
0x63: {  	_ =	shalt  }
0x64: {  	_ =	shalt  }
0x65: {  	_ =	shalt  }
0x66: {  	_ =	shalt  }
0x67: {  	_ =	shalt  }
0x68: {  	_ =	shalt  }
0x69: {  	_ =	shalt  }
0x6a: {  	_ =	shalt  }
0x6b: {  	_ =	shalt  }
0x6c: {  	_ =	shalt  }
0x6d: {  	_ =	shalt  }
0x6e: {  	_ =	shalt  }
0x6f: {  	_ =	shalt  }
0x70: {  	_ =	shalt  }
0x71: {  	_ =	shalt  }
0x72: {  	_ =	shalt  }
0x73: {  	_ =	shalt  }
0x74: {  	_ =	shalt  }
0x75: {  	_ =	shalt  }
0x76: {  	_ =	shalt  }
0x77: {  	_ =	shalt  }
0x78: {  	_ =	shalt  }
0x79: {  	_ =	shalt  }
0x7a: {  	_ =	shalt  }
0x7b: {  	_ =	shalt  }
0x7c: {  	_ =	shalt  }
0x7d: {  	_ =	shalt  }
0x7e: {  	_ =	shalt  }
0x7f: {  	_ =	shalt  }
0x80: {  	_ =	shalt  }
0x81: {  	_ =	shalt  }
0x82: {  	_ =	shalt  }
0x83: {  	_ =	shalt  }
0x84: {  	_ =	shalt  }
0x85: {  	_ =	shalt  }
0x86: {  	_ =	shalt  }
0x87: {  	_ =	shalt  }
.Lfunc_end0:
.L_simem_size_0:
called_computation_lowered:
.L_overlay_start_0:
0x88: {  	s2 =	sld [smem:$0x3FD9]  }
0x89: {  	s3 =	sld [smem:$0x3FFE];
	_ =	sdelay $0x1  }
0x8a: {  	s1 =	srdreg.scid  }
0x8b: {  	s0 =	sand.u32 $0x1, s1  }
0x8c: {  	s17 =	sshll.u32 s0, $0xA;
	s2 =	sadd.s32 s3, s2  }
0x8d: {  	s2 =	sadd.s32 s2, s17  }
0x8e: {  	[smem:$0x3FC2] =	sst s2  }
0x8f: {  	_ = 	snop  }
0x90: {  	s2 =	sld [smem:$0x3FD0];
	(tm) =	ssettm $0x1  }
0x91: {  	s18 =	sld [smem:$0x3FFB];
	_ =	sdelay $0x3  }
0x92: {  	_ =	strace s18  }
0x93: {  	s3 =	sld [smem:$0x3FFC];
	_ =	sdelay $0x3  }
0x94: {  	_ =	strace s3  }
0x95: {  	s3 =	sld [smem:$0x3FFD];
	_ =	sdelay $0x3  }
0x96: {  	_ =	strace s3  }
0x97: {  	_ =	strace $0x8FFFFFFF  }
0x98: {  	s19 =	sld [smem:$0x3FDB];
	_ =	sdelay $0x1  }
0x99: {  	s4 =	simm.s32 $_scs_section_size  }
0x9a: {  	s5 =	simm.s32 $_size__tile_overlayer_lowered;
	s6 =	simm.s32 $_tile_overlayer_lowered  }
0x9b: {  	s22 =	simm.s32 $0x1BFF;
	s21 =	sshll.u32 s6, $0x1;
	s3 =	sadd.s32 s4, s19  }
0x9c: {  	s7 =	simm.s32 $0x0;
	s20 =	sshll.u32 s5, $0x1;
	s5 =	sadd.s32 s21, s3  }
0x9d: {  	[timem:s7], [sflag:s22] =	dma.local [hbm:s5], s20  }
0x9e: {  	_ =	swait.ge [sflag:s22], s20  }
0x9f: {  	s4 =	ssub.s32 $0x0, s20;
	[sflag:s22] =	ssyncset.done $0x0  }
0xa0: {  	[sflag:s22] =	ssyncadd.s32 s4;
	_ =	sdelay $0x1  }
0xa1: {  	s23 =	simm.s32 $0x1B8B  }
0xa2: {  	_ =	swait.ge [sflag:s23], $0x1  }
0xa3: {  	[sflag:s23] =	ssyncset.done $0x0  }
0xa4: {  	s25 =	simm.s32 $0x1B8E;
	s24 =	sld [smem:$0x3FFE];
	[sflag:s23] =	ssyncadd.s32 $0xFFFFFFFF  }
0xa5: {  	s26 =	simm.s32 $execute0_lowered;
	[smem:$0x3FD2] =	sst s25  }
0xa6: {  	s5 =	sshll.u32 s26, $0x1;
	_ =	strace $0x80000046;
	[dreg:$0x1] =	wrdreg $0xFFFFFFFF  }
0xa7: {  	s28 =	simm.s32 $_size_execute0_lowered;
	s3 =	sadd.s32 s3, s5;
	[dreg:$0x0] =	wrdreg $0x0  }
0xa8: {  	s5 =	sshll.u32 s28, $0x1;
	[dreg:$0x2] =	wrdreg s3  }
0xa9: {  	[dreg:$0x3] =	wrdreg s5  }
0xaa: {  	[dreg:$0x4] =	wrdreg $0xC0  }
0xab: {  	_ =	task [dreg:s7], $0x5FFFF  }
0xac: {  	[dreg:$0x1] =	wrdreg $0xFFFFFFFF  }
0xad: {  	[dreg:$0x0] =	wrdreg $0x60  }
0xae: {  	[dreg:$0x2] =	wrdreg s2  }
0xaf: {  	[dreg:$0x3] =	wrdreg s24  }
0xb0: {  	[dreg:$0x4] =	wrdreg $0x9  }
0xb1: {  	_ =	task.clear_ibuf [dreg:s7], $0x5FFFF;
	_ =	strace $0x90000046  }
0xb2: {  	s29 =	simm.s32 $0x9;
	_ =	strace $0x80000048  }
0xb3: {  	_ =	swait.ge [sflag:s29], $0x1  }
0xb4: {  	[sflag:s29] =	ssyncadd.s32 $0xFFFFFFFF  }
0xb5: {  	_ =	strace $0x90000048  }
0xb6: {  	_ =	sfence  }
0xb7: {  	s30 =	sld [smem:$0x0];
	_ =	sdelay $0x2  }
0xb8: {  	s31 =	sshll.u32 s1, $0xD;
	s1 =	sshrl.u32 s1, $0x2  }
0xb9: {  	s3 =	sand.u32 $0x4000, s31;
	s1 =	sadd.s32 s1, s30  }
0xba: {  	s0 =	sor.u32 s3, s0;
	s1 =	sshll.u32 s1, $0x11  }
0xbb: {  	s0 =	sor.u32 s1, s0  }
0xbc: {  	s0 =	sadd.s32 $0x8F2B, s0  }
0xbd: {  	[sflag:s0] =	ssyncadd.remote.s32 $0x1  }
0xbe: {  	_ =	sfence.sel $0xFFFF  }
0xbf: {  	[dreg:$0x0] =	wrdreg $0xFFFFFFFF;
	(pc) =	sbr.abs _section_cstart, $3  }
0xc0: {  	[dreg:$0x1] =	wrdreg $0xFFFFFFFF  }
0xc1: {  	_ =	task.clear_ibuf [dreg:s7], $0x2FFFF;
	_ =	strace $0x9FFFFFFF  }
0xc2: {  	(tm) =	ssettm $0x7FFFFFFF  }
0xc3: {  	_ =	shalt  }
tec
execute0_lowered:
.L_overlay_start_1:
0x0: {  	(tag) =	ssettag $0x1  }
0x1: {  	s1 =	srdreg.scid;
	s3 =	rddreg [dreg:$0x0]  }
0x2: {  	s0 =	stileid.u32;
	s9 =	rddreg [dreg:$0x1]  }
0x3: {  	s2 =	simm.s32 $0x0;
	s7 =	simm.s32 $0x80;
	s6 =	sand.u32 $0x1, s1  }
0x4: {  	s4 =	sshll.u32 s0, $0x5;
	s1 =	rddreg [dreg:$0x2];
	s5 =	sshll.u32 s6, $0x4  }
0x5: {  	s8 =	simm.s32 $0x1;
	[smem:$0x7FF] =	sst s2;
	s10 =	sor.u32 s5, s4  }
0x6: {  	_ =	strace $0x80000047;
	s11 =	ssub.s32 $0x2, s6;
	s4 =	sshrl.u32 s10, $0x3  }
0x7: {  	s6 =	simm.s32 $0x10;
	s4 =	sadd.s32 s3, s4;
	s3 =	simm.s32 $0x2  }
0x8: {  	[tilespmem:s2], [sflag:$0x2] =	stream.linear.gather [hbm4b:s4+s2], $0x10, $0x38;
	[tilespmem:$0x880] =	vst v63  }
0x9: {  	s5 =	sadd.s32 $0xC00, s9;
	s12 =	sshrl.u32 s11, $0x1;
	_ =	swait.ge [sflag:s3], $0x10  }
0xa: {  	s10 =	sshll.u32 s10, $0x4;
	s31 =	ssub.s32 s11, s12;
	[sflag:s3] =	ssyncset.done $0x0  }
0xb: {  	s9 =	sadd.s32 s10, s9;
	s10 =	smax.u32 s31, $0x1;
	[sflag:s3] =	ssyncadd.s32 $0xFFFFFFF0  }
0xc: {  	[tilespmem:s7], [sflag:$0x1] =	stream.indirect.gather [hbm4b:s5+s6], $0x80, s2, s6, $0xb8;
	[tilespmem:$0x880] =	vst v63  }
0xd: {  	p0 =	sne.s32 s10, $0x1;
	_ =	swait.ge [sflag:s8], $0x800  }
.Ltmp0:
0xe: {  	[sflag:s8] =	ssyncset.done $0x0;
	(pc) =	sbr.rel @!p0 .LBB2_2-.Ltmp0, $4  }
0xf: {  	s9 =	sadd.s32 $0x4C00, s9;
	[sflag:s8] =	ssyncadd.s32 $0xFFFFF800  }
0x10: {  	[hbm4b:s9+s2] =	stream.linear.scatter [tilespmem:s7], [sflag:$0x2], $0x800, $0x38;
	[tilespmem:$0x880] =	vst v63  }
0x11: {  	_ =	swait.ge [sflag:s3], $0x800  }
0x12: {  	s10 =	sadd.s32 $0xFFFFFFFF, s10;
	[sflag:s3] =	ssyncset.done $0x0  }
.LBB2_1:
0x13: {  	p0 =	sne.s32 s10, $0x1;
	s10 =	sadd.s32 $0xFFFFFFFF, s10;
	[sflag:s3] =	ssyncadd.s32 $0xFFFFF800  }
0x14: {  	[tilespmem:s2], [sflag:$0x2] =	stream.linear.gather [hbm4b:s4+s2], $0x10, $0x38;
	[tilespmem:$0x880] =	vst v63  }
0x15: {  	_ =	swait.ge [sflag:s3], $0x10  }
0x16: {  	[sflag:s3] =	ssyncset.done $0x0  }
0x17: {  	[sflag:s3] =	ssyncadd.s32 $0xFFFFFFF0  }
0x18: {  	[tilespmem:s7], [sflag:$0x1] =	stream.indirect.gather [hbm4b:s5+s6], $0x80, s2, s6, $0xb8;
	[tilespmem:$0x880] =	vst v63  }
0x19: {  	_ =	swait.ge [sflag:s8], $0x800  }
.Ltmp1:
0x1a: {  	[sflag:s8] =	ssyncset.done $0x0;
	(pc) =	sbr.rel @p0 .LBB2_1-.Ltmp1, $4  }
0x1b: {  	[sflag:s8] =	ssyncadd.s32 $0xFFFFF800  }
0x1c: {  	[hbm4b:s9+s2] =	stream.linear.scatter [tilespmem:s7], [sflag:$0x2], $0x800, $0x38;
	[tilespmem:$0x880] =	vst v63  }
0x1d: {  	_ =	swait.ge [sflag:s3], $0x800  }
0x1e: {  	[sflag:s3] =	ssyncset.done $0x0  }
.LBB2_2:
0x1f: {  	[sflag:s3] =	ssyncadd.s32 $0xFFFFF800  }
0x20: {  	_ =	sfence.sel $0x180000  }
0x21: {  	[bflag:$0x0] =	sbarrier.arrive $0xFFFF  }
0x22: {  	p0 =	sne.s32 s0, $0x0;
	_ =	strace $0x90000047  }
0x23: {  	s0 =	sadd.s32 @!p0 $0x100000, s1;
	[bflag:$0x2] =	sbarrier.arrive $0xFFFF  }
0x24: {  	[sflag:s0] =	ssyncadd.tile.s32 @!p0 $0x1;
	_ =	shalt  }
.Lfunc_end2:
_tile_overlayer_lowered:
.L_overlay_start_2:
0x25: {  	(tag) =	ssettag $0x2  }
0x26: {  	s0 =	rddreg [dreg:$0x0];
	s2 =	stileid.u32  }
0x27: {  	s1 =	rddreg [dreg:$0x1];
	p0 =	sne.s32 s2, $0x0  }
0x28: {  	s3 =	rddreg [dreg:$0x2];
	[bflag:$0x3] =	sbarrier.arrive $0xFFFF;
	s2 =	simm.s32 @!p0 $0x1C02  }
0x29: {  	[timem:s3], [sflag:s2] =	dma.local @!p0 [hbm:s0], s1  }
0x2a: {  	s0 =	simm.s32 @!p0 $0x2  }
0x2b: {  	_ =	swait.ge @!p0 [sflag:s0], s1  }
0x2c: {  	s1 =	ssub.s32 @!p0 $0x0, s1;
	[sflag:s0] =	ssyncset.done @!p0 $0x0  }
0x2d: {  	[sflag:s0] =	ssyncadd.s32 @!p0 s1  }
0x2e: {  	[bflag:$0x3] =	sbarrier.arrive $0xFFFF  }
0x2f: {  	_ =	shalt  }

</sc_bundles>
